<compile_context>
chip_gen: v7x
topology: tpu7x:2x2x1
jax: 0.10.2.dev20260603
libtpu: 0.0.44.dev20260713+nightly
codegen_flags: <defaults>
</compile_context>

<pallas_src>
import functools

import jax
import jax.numpy as jnp
from jax import lax
from jax.experimental import pallas as pl
from jax.experimental.pallas import tpu as pltpu
from jax.experimental.pallas import tpu_sc as plsc

B, H, D = 4096, 200, 32
VOCAB = 1000
TV = VOCAB * D

NC = 2
NS = 16
NW = NC * NS
N_UNITS = H * (D // 8)
U_PER_W = N_UNITS // NW
NBG = B // 16


@functools.partial(
    pl.kernel,
    out_type=jax.ShapeDtypeStruct((H, D, B), jnp.float32),
    mesh=plsc.VectorSubcoreMesh(
        core_axis_name="c", subcore_axis_name="s", num_cores=NC, num_subcores=NS
    ),
    scratch_types=[
        pltpu.VMEM((TV,), jnp.float32),
        pltpu.VMEM((B,), jnp.int32),
        pltpu.VMEM((8, B), jnp.float32),
        pltpu.VMEM((8, B), jnp.float32),
        pltpu.SemaphoreType.DMA,
    ],
    compiler_params=pltpu.CompilerParams(needs_layout_passes=False),
)
def _gather_kernel(table_hbm, items_hbm, out_hbm, table_v, idx_v,
                   buf_a, buf_b, sem):
    wid = lax.axis_index("s") * NC + lax.axis_index("c")
    u0 = wid * U_PER_W
    pltpu.sync_copy(table_hbm, table_v)

    def fill(buf, d0):
        consts = [jnp.full((16,), (d0 + dd) * VOCAB, jnp.int32)
                  for dd in range(8)]

        def group2(g2, _):
            for gg in range(2):
                j0 = (g2 * 2 + gg) * 16
                idx16 = idx_v[pl.ds(j0, 16)]
                addrs = [idx16 + consts[dd] for dd in range(8)]
                vals = [plsc.load_gather(table_v, [a]) for a in addrs]
                for dd in range(8):
                    buf[dd, pl.ds(j0, 16)] = vals[dd]
            return 0

        lax.fori_loop(0, NBG // 2, group2, 0)

    def do_unit(u, buf, drain):
        h = u // (D // 8)
        d0 = (u % (D // 8)) * 8

        @pl.when(jnp.logical_or(u % (D // 8) == 0, u == u0))
        def _stage():
            pltpu.sync_copy(items_hbm.at[pl.ds(h * B, B)], idx_v)

        dst = out_hbm.at[h, pl.ds(d0, 8)]
        if drain:
            pltpu.make_async_copy(buf, dst, sem).wait()
        fill(buf, d0)
        pltpu.async_copy(buf, dst, sem)

    def pair_body(i, _):
        for off, buf in ((0, buf_a), (1, buf_b)):
            do_unit(u0 + 2 * i + off, buf, True)
        return 0

    do_unit(u0, buf_a, False)
    do_unit(u0 + 1, buf_b, False)
    lax.fori_loop(1, (U_PER_W - 1) // 2, pair_body, 0)
    do_unit(u0 + U_PER_W - 1, buf_a, True)

    dst0 = out_hbm.at[0, pl.ds(0, 8)]
    pltpu.make_async_copy(buf_a, dst0, sem).wait()
    pltpu.make_async_copy(buf_b, dst0, sem).wait()


def kernel(items, timesteps, item_embedding_table):
    del timesteps
    items_t = items.T.astype(jnp.int32).reshape(-1)
    table_t = item_embedding_table.T.reshape(-1)
    out_t = _gather_kernel(table_t, items_t)
    return jnp.transpose(out_t, (2, 0, 1))

# --- scband reference (transcript-rebuilt; emitter-appended) ---
"""Pipeline reference for scband-positional-item-encoding-46660524704152 (READ-ONLY COPY).

The authoritative reference and input builder live on the scoring server;
editing this copy changes nothing except your own understanding.
"""

import jax, jax.numpy as jnp
import numpy as np

VOCAB = 1000
EMBED_DIM = 32
BATCH = 4096
HIST = 200


def setup_inputs(seed: int = 0) -> dict:
    key = jax.random.key(seed)
    k1, k2, k3 = jax.random.split(key, 3)
    # items passed to __init__ are range(VOCAB), so the item->id map is the identity.
    items = jax.random.randint(k1, (BATCH, HIST), 0, VOCAB)
    timesteps = jax.random.uniform(k2, (BATCH, HIST), dtype=jnp.float32)
    # learned embedding table (torch.nn.Embedding default init ~ N(0,1))
    item_embedding_table = jax.random.normal(k3, (VOCAB, EMBED_DIM), dtype=jnp.float32)
    return {"items": items, "timesteps": timesteps, "item_embedding_table": item_embedding_table}


def reference(items, timesteps, item_embedding_table):
    # forward: map raw items to ids (identity here), then embedding lookup.
    # The module body (as given) computes only the item embedding gather;
    # timesteps are accepted but not consumed by the shown computation.
    item_ids = items  # identity id map since init items == range(VOCAB)
    item_embeddings = jnp.take(item_embedding_table, item_ids, axis=0)
    return item_embeddings

if __name__ == "__main__":
    import jax
    _d = setup_inputs()
    print(jax.jit(kernel)(*tuple(_d.values())))

</pallas_src>

<mosaic_0001>
#map = affine_map<(d0, d1) -> (0)>
#map1 = affine_map<(d0, d1) -> (0, 0, 0)>
module attributes {stable_mosaic.version = 14 : i64} {
  func.func @_gather_kernel(%arg0: i32, %arg1: i32, %arg2: memref<32000xf32, #tpu.memory_space<hbm>>, %arg3: memref<819200xi32, #tpu.memory_space<hbm>>, %arg4: memref<200x32x4096xf32, #tpu.memory_space<hbm>>, %arg5: memref<32000xf32, #tpu.memory_space<vmem>>, %arg6: memref<4096xi32, #tpu.memory_space<vmem>>, %arg7: memref<8x4096xf32, #tpu.memory_space<vmem>>, %arg8: memref<8x4096xf32, #tpu.memory_space<vmem>>, %arg9: memref<!tpu.dma_semaphore, #tpu.memory_space<semaphore_mem>>) attributes {dimension_semantics = [#tpu.dimension_semantics<core_parallel>, #tpu.dimension_semantics<subcore_parallel>], iteration_bounds = array<i64: 2, 16>, scalar_prefetch = 0 : i64, scratch_operands = 5 : i64, tpu.core_type = #tpu.core_type<sc_vector_subcore>, window_params = [{transform_indices = #map}, {transform_indices = #map}, {transform_indices = #map1}]} {
    %mul3A = arith.constant 2 : i32
    %mul3A_0 = arith.muli %arg1, %mul3A : i32
    %add3A = arith.addi %mul3A_0, %arg0 : i32
    %mul3A_1 = arith.constant 25 : i32
    %mul3A_2 = arith.muli %add3A, %mul3A_1 : i32
    "tpu.region"() ({
      %run_scoped3A = tpu.sem_alloc : memref<!tpu.dma_semaphore, #tpu.memory_space<semaphore_mem>>
      tpu.enqueue_dma source(%arg2 : memref<32000xf32, #tpu.memory_space<hbm>>) target(%arg5 : memref<32000xf32, #tpu.memory_space<vmem>>) target_semaphore(%run_scoped3A : memref<!tpu.dma_semaphore, #tpu.memory_space<semaphore_mem>>)
      tpu.wait_dma2 semaphore(%run_scoped3A : memref<!tpu.dma_semaphore, #tpu.memory_space<semaphore_mem>>) src(%arg2 : memref<32000xf32, #tpu.memory_space<hbm>>) dst(%arg5 : memref<32000xf32, #tpu.memory_space<vmem>>)
      tpu.yield
    }) : () -> ()
    %jit3A = arith.constant 4 : i32
    %div3A = arith.divsi %mul3A_2, %jit3A : i32
    %sign3A = arith.constant 0 : i32
    %sign3A_3 = arith.cmpi sgt, %mul3A_2, %sign3A : i32
    %sign3A_4 = arith.extui %sign3A_3 : i1 to i32
    %sign3A_5 = arith.constant 0 : i32
    %sign3A_6 = arith.cmpi slt, %mul3A_2, %sign3A_5 : i32
    %sign3A_7 = arith.extui %sign3A_6 : i1 to i32
    %sign3A_8 = arith.subi %sign3A_4, %sign3A_7 : i32
    %sign3A_9 = arith.constant 0 : i32
    %sign3A_10 = arith.cmpi sgt, %jit3A, %sign3A_9 : i32
    %sign3A_11 = arith.extui %sign3A_10 : i1 to i32
    %sign3A_12 = arith.constant 0 : i32
    %sign3A_13 = arith.cmpi slt, %jit3A, %sign3A_12 : i32
    %sign3A_14 = arith.extui %sign3A_13 : i1 to i32
    %sign3A_15 = arith.subi %sign3A_11, %sign3A_14 : i32
    %ne3A = arith.cmpi ne, %sign3A_8, %sign3A_15 : i32
    %rem3A = arith.remsi %mul3A_2, %jit3A : i32
    %ne3A_16 = arith.constant 0 : i32
    %ne3A_17 = arith.cmpi ne, %rem3A, %ne3A_16 : i32
    %and3A = arith.andi %ne3A, %ne3A_17 : i1
    %sub3A = arith.constant 1 : i32
    %sub3A_18 = arith.subi %div3A, %sub3A : i32
    %select_n3A = arith.select %and3A, %sub3A_18, %div3A : i32
    %jit3A_19 = arith.constant 4 : i32
    %eq3A = arith.constant 0 : i32
    %eq3A_20 = arith.cmpi eq, %jit3A_19, %eq3A : i32
    %jit3A_21 = arith.constant 1 : i32
    %select_n3A_22 = arith.select %eq3A_20, %jit3A_21, %jit3A_19 : i32
    %rem3A_23 = arith.remsi %mul3A_2, %select_n3A_22 : i32
    %ne3A_24 = arith.constant 0 : i32
    %ne3A_25 = arith.cmpi ne, %rem3A_23, %ne3A_24 : i32
    %lt3A = arith.constant 0 : i32
    %lt3A_26 = arith.cmpi slt, %rem3A_23, %lt3A : i32
    %lt3A_27 = arith.constant 0 : i32
    %lt3A_28 = arith.cmpi slt, %select_n3A_22, %lt3A_27 : i32
    %ne3A_29 = arith.xori %lt3A_26, %lt3A_28 : i1
    %and3A_30 = arith.andi %ne3A_29, %ne3A_25 : i1
    %add3A_31 = arith.addi %rem3A_23, %select_n3A_22 : i32
    %select_n3A_32 = arith.select %and3A_30, %add3A_31, %rem3A_23 : i32
    %mul3A_33 = arith.constant 8 : i32
    %mul3A_34 = arith.muli %select_n3A_32, %mul3A_33 : i32
    %jit3A_35 = arith.constant 4 : i32
    %eq3A_36 = arith.constant 0 : i32
    %eq3A_37 = arith.cmpi eq, %jit3A_35, %eq3A_36 : i32
    %jit3A_38 = arith.constant 1 : i32
    %select_n3A_39 = arith.select %eq3A_37, %jit3A_38, %jit3A_35 : i32
    %rem3A_40 = arith.remsi %mul3A_2, %select_n3A_39 : i32
    %ne3A_41 = arith.constant 0 : i32
    %ne3A_42 = arith.cmpi ne, %rem3A_40, %ne3A_41 : i32
    %lt3A_43 = arith.constant 0 : i32
    %lt3A_44 = arith.cmpi slt, %rem3A_40, %lt3A_43 : i32
    %lt3A_45 = arith.constant 0 : i32
    %lt3A_46 = arith.cmpi slt, %select_n3A_39, %lt3A_45 : i32
    %ne3A_47 = arith.xori %lt3A_44, %lt3A_46 : i1
    %and3A_48 = arith.andi %ne3A_47, %ne3A_42 : i1
    %add3A_49 = arith.addi %rem3A_40, %select_n3A_39 : i32
    %select_n3A_50 = arith.select %and3A_48, %add3A_49, %rem3A_40 : i32
    %eq3A_51 = arith.constant 0 : i32
    %eq3A_52 = arith.cmpi eq, %select_n3A_50, %eq3A_51 : i32
    %eq3A_53 = arith.cmpi eq, %mul3A_2, %mul3A_2 : i32
    %or3A = arith.ori %eq3A_52, %eq3A_53 : i1
    %convert_element_type3A = arith.extui %or3A : i1 to i32
    %cond3A = arith.constant 0 : i32
    %cond3A_54 = arith.cmpi ne, %convert_element_type3A, %cond3A : i32
    scf.if %cond3A_54 {
      %mul3A_377 = arith.constant 4096 : i32
      %mul3A_378 = arith.muli %select_n3A, %mul3A_377 : i32
      "tpu.region"() ({
        %run_scoped3A = tpu.sem_alloc : memref<!tpu.dma_semaphore, #tpu.memory_space<semaphore_mem>>
        %dma_start3A_379 = tpu.memref_slice %arg3[%mul3A_378] : memref<819200xi32, #tpu.memory_space<hbm>> -> memref<4096xi32, #tpu.memory_space<hbm>>
        %dma_start3A_380 = tpu.memref_slice %arg3[%mul3A_378] : memref<819200xi32, #tpu.memory_space<hbm>> -> memref<4096xi32, #tpu.memory_space<hbm>>
        tpu.enqueue_dma source(%dma_start3A_380 : memref<4096xi32, #tpu.memory_space<hbm>>) target(%arg6 : memref<4096xi32, #tpu.memory_space<vmem>>) target_semaphore(%run_scoped3A : memref<!tpu.dma_semaphore, #tpu.memory_space<semaphore_mem>>)
        %dma_wait3A_381 = tpu.memref_slice %arg3[%mul3A_378] : memref<819200xi32, #tpu.memory_space<hbm>> -> memref<4096xi32, #tpu.memory_space<hbm>>
        %dma_wait3A_382 = tpu.memref_slice %arg3[%mul3A_378] : memref<819200xi32, #tpu.memory_space<hbm>> -> memref<4096xi32, #tpu.memory_space<hbm>>
        tpu.wait_dma2 semaphore(%run_scoped3A : memref<!tpu.dma_semaphore, #tpu.memory_space<semaphore_mem>>) src(%dma_wait3A_382 : memref<4096xi32, #tpu.memory_space<hbm>>) dst(%arg6 : memref<4096xi32, #tpu.memory_space<vmem>>)
        tpu.yield
      }) : () -> ()
    } else {
    }
    %add3A_55 = arith.constant 0 : i32
    %add3A_56 = arith.addi %mul3A_34, %add3A_55 : i32
    %mul3A_57 = arith.constant 1000 : i32
    %mul3A_58 = arith.muli %add3A_56, %mul3A_57 : i32
    %broadcast_in_dim3A = vector.broadcast %mul3A_58 : i32 to vector<16xi32>
    %add3A_59 = arith.constant 1 : i32
    %add3A_60 = arith.addi %mul3A_34, %add3A_59 : i32
    %mul3A_61 = arith.constant 1000 : i32
    %mul3A_62 = arith.muli %add3A_60, %mul3A_61 : i32
    %broadcast_in_dim3A_63 = vector.broadcast %mul3A_62 : i32 to vector<16xi32>
    %add3A_64 = arith.constant 2 : i32
    %add3A_65 = arith.addi %mul3A_34, %add3A_64 : i32
    %mul3A_66 = arith.constant 1000 : i32
    %mul3A_67 = arith.muli %add3A_65, %mul3A_66 : i32
    %broadcast_in_dim3A_68 = vector.broadcast %mul3A_67 : i32 to vector<16xi32>
    %add3A_69 = arith.constant 3 : i32
    %add3A_70 = arith.addi %mul3A_34, %add3A_69 : i32
    %mul3A_71 = arith.constant 1000 : i32
    %mul3A_72 = arith.muli %add3A_70, %mul3A_71 : i32
    %broadcast_in_dim3A_73 = vector.broadcast %mul3A_72 : i32 to vector<16xi32>
    %add3A_74 = arith.constant 4 : i32
    %add3A_75 = arith.addi %mul3A_34, %add3A_74 : i32
    %mul3A_76 = arith.constant 1000 : i32
    %mul3A_77 = arith.muli %add3A_75, %mul3A_76 : i32
    %broadcast_in_dim3A_78 = vector.broadcast %mul3A_77 : i32 to vector<16xi32>
    %add3A_79 = arith.constant 5 : i32
    %add3A_80 = arith.addi %mul3A_34, %add3A_79 : i32
    %mul3A_81 = arith.constant 1000 : i32
    %mul3A_82 = arith.muli %add3A_80, %mul3A_81 : i32
    %broadcast_in_dim3A_83 = vector.broadcast %mul3A_82 : i32 to vector<16xi32>
    %add3A_84 = arith.constant 6 : i32
    %add3A_85 = arith.addi %mul3A_34, %add3A_84 : i32
    %mul3A_86 = arith.constant 1000 : i32
    %mul3A_87 = arith.muli %add3A_85, %mul3A_86 : i32
    %broadcast_in_dim3A_88 = vector.broadcast %mul3A_87 : i32 to vector<16xi32>
    %add3A_89 = arith.constant 7 : i32
    %add3A_90 = arith.addi %mul3A_34, %add3A_89 : i32
    %mul3A_91 = arith.constant 1000 : i32
    %mul3A_92 = arith.muli %add3A_90, %mul3A_91 : i32
    %broadcast_in_dim3A_93 = vector.broadcast %mul3A_92 : i32 to vector<16xi32>
    %scan3A = arith.constant 0 : i32
    %scan3A_94 = arith.constant 0 : i32
    %scan3A_95 = arith.constant 128 : i32
    %scan3A_96 = arith.addi %scan3A_94, %scan3A_95 : i32
    %scan3A_97 = arith.constant 1 : i32
    %scan3A_98 = scf.for %scan3A_377 = %scan3A_94 to %scan3A_96 step %scan3A_97 iter_args(%scan3A_378 = %scan3A) -> (i32)  : i32 {
      %mul3A_379 = arith.constant 2 : i32
      %mul3A_380 = arith.muli %scan3A_377, %mul3A_379 : i32
      %add3A_381 = arith.constant 0 : i32
      %add3A_382 = arith.addi %mul3A_380, %add3A_381 : i32
      %mul3A_383 = arith.constant 16 : i32
      %mul3A_384 = arith.muli %add3A_382, %mul3A_383 : i32
      %get3A = arith.index_cast %mul3A_384 : i32 to index
      %get3A_385 = tpu.vector_load %arg6[%get3A] {strides = array<i32>} : memref<4096xi32, #tpu.memory_space<vmem>>, vector<16xi32>,
      %add3A_386 = arith.addi %get3A_385, %broadcast_in_dim3A : vector<16xi32>
      %add3A_387 = arith.addi %get3A_385, %broadcast_in_dim3A_63 : vector<16xi32>
      %add3A_388 = arith.addi %get3A_385, %broadcast_in_dim3A_68 : vector<16xi32>
      %add3A_389 = arith.addi %get3A_385, %broadcast_in_dim3A_73 : vector<16xi32>
      %add3A_390 = arith.addi %get3A_385, %broadcast_in_dim3A_78 : vector<16xi32>
      %add3A_391 = arith.addi %get3A_385, %broadcast_in_dim3A_83 : vector<16xi32>
      %add3A_392 = arith.addi %get3A_385, %broadcast_in_dim3A_88 : vector<16xi32>
      %add3A_393 = arith.addi %get3A_385, %broadcast_in_dim3A_93 : vector<16xi32>
      %gather3A = tpu.vector_load_idx %arg5[%add3A_386] : memref<32000xf32, #tpu.memory_space<vmem>>[vector<16xi32>], vector<16xf32>,
      %gather3A_394 = tpu.vector_load_idx %arg5[%add3A_387] : memref<32000xf32, #tpu.memory_space<vmem>>[vector<16xi32>], vector<16xf32>,
      %gather3A_395 = tpu.vector_load_idx %arg5[%add3A_388] : memref<32000xf32, #tpu.memory_space<vmem>>[vector<16xi32>], vector<16xf32>,
      %gather3A_396 = tpu.vector_load_idx %arg5[%add3A_389] : memref<32000xf32, #tpu.memory_space<vmem>>[vector<16xi32>], vector<16xf32>,
      %gather3A_397 = tpu.vector_load_idx %arg5[%add3A_390] : memref<32000xf32, #tpu.memory_space<vmem>>[vector<16xi32>], vector<16xf32>,
      %gather3A_398 = tpu.vector_load_idx %arg5[%add3A_391] : memref<32000xf32, #tpu.memory_space<vmem>>[vector<16xi32>], vector<16xf32>,
      %gather3A_399 = tpu.vector_load_idx %arg5[%add3A_392] : memref<32000xf32, #tpu.memory_space<vmem>>[vector<16xi32>], vector<16xf32>,
      %gather3A_400 = tpu.vector_load_idx %arg5[%add3A_393] : memref<32000xf32, #tpu.memory_space<vmem>>[vector<16xi32>], vector<16xf32>,
      %swap3A = arith.constant 0 : i32
      %swap3A_401 = arith.index_cast %swap3A : i32 to index
      %swap3A_402 = arith.index_cast %mul3A_384 : i32 to index
      %swap3A_403 = tpu.vector_load %arg7[%swap3A_401, %swap3A_402] {strides = array<i32>} : memref<8x4096xf32, #tpu.memory_space<vmem>>, vector<16xf32>,
      tpu.vector_store %arg7[%swap3A_401, %swap3A_402], %gather3A {strides = array<i32>} : memref<8x4096xf32, #tpu.memory_space<vmem>>, vector<16xf32>,
      %swap3A_404 = arith.constant 1 : i32
      %swap3A_405 = arith.index_cast %swap3A_404 : i32 to index
      %swap3A_406 = arith.index_cast %mul3A_384 : i32 to index
      %swap3A_407 = tpu.vector_load %arg7[%swap3A_405, %swap3A_406] {strides = array<i32>} : memref<8x4096xf32, #tpu.memory_space<vmem>>, vector<16xf32>,
      tpu.vector_store %arg7[%swap3A_405, %swap3A_406], %gather3A_394 {strides = array<i32>} : memref<8x4096xf32, #tpu.memory_space<vmem>>, vector<16xf32>,
      %swap3A_408 = arith.constant 2 : i32
      %swap3A_409 = arith.index_cast %swap3A_408 : i32 to index
      %swap3A_410 = arith.index_cast %mul3A_384 : i32 to index
      %swap3A_411 = tpu.vector_load %arg7[%swap3A_409, %swap3A_410] {strides = array<i32>} : memref<8x4096xf32, #tpu.memory_space<vmem>>, vector<16xf32>,
      tpu.vector_store %arg7[%swap3A_409, %swap3A_410], %gather3A_395 {strides = array<i32>} : memref<8x4096xf32, #tpu.memory_space<vmem>>, vector<16xf32>,
      %swap3A_412 = arith.constant 3 : i32
      %swap3A_413 = arith.index_cast %swap3A_412 : i32 to index
      %swap3A_414 = arith.index_cast %mul3A_384 : i32 to index
      %swap3A_415 = tpu.vector_load %arg7[%swap3A_413, %swap3A_414] {strides = array<i32>} : memref<8x4096xf32, #tpu.memory_space<vmem>>, vector<16xf32>,
      tpu.vector_store %arg7[%swap3A_413, %swap3A_414], %gather3A_396 {strides = array<i32>} : memref<8x4096xf32, #tpu.memory_space<vmem>>, vector<16xf32>,
      %swap3A_416 = arith.constant 4 : i32
      %swap3A_417 = arith.index_cast %swap3A_416 : i32 to index
      %swap3A_418 = arith.index_cast %mul3A_384 : i32 to index
      %swap3A_419 = tpu.vector_load %arg7[%swap3A_417, %swap3A_418] {strides = array<i32>} : memref<8x4096xf32, #tpu.memory_space<vmem>>, vector<16xf32>,
      tpu.vector_store %arg7[%swap3A_417, %swap3A_418], %gather3A_397 {strides = array<i32>} : memref<8x4096xf32, #tpu.memory_space<vmem>>, vector<16xf32>,
      %swap3A_420 = arith.constant 5 : i32
      %swap3A_421 = arith.index_cast %swap3A_420 : i32 to index
      %swap3A_422 = arith.index_cast %mul3A_384 : i32 to index
      %swap3A_423 = tpu.vector_load %arg7[%swap3A_421, %swap3A_422] {strides = array<i32>} : memref<8x4096xf32, #tpu.memory_space<vmem>>, vector<16xf32>,
      tpu.vector_store %arg7[%swap3A_421, %swap3A_422], %gather3A_398 {strides = array<i32>} : memref<8x4096xf32, #tpu.memory_space<vmem>>, vector<16xf32>,
      %swap3A_424 = arith.constant 6 : i32
      %swap3A_425 = arith.index_cast %swap3A_424 : i32 to index
      %swap3A_426 = arith.index_cast %mul3A_384 : i32 to index
      %swap3A_427 = tpu.vector_load %arg7[%swap3A_425, %swap3A_426] {strides = array<i32>} : memref<8x4096xf32, #tpu.memory_space<vmem>>, vector<16xf32>,
      tpu.vector_store %arg7[%swap3A_425, %swap3A_426], %gather3A_399 {strides = array<i32>} : memref<8x4096xf32, #tpu.memory_space<vmem>>, vector<16xf32>,
      %swap3A_428 = arith.constant 7 : i32
      %swap3A_429 = arith.index_cast %swap3A_428 : i32 to index
      %swap3A_430 = arith.index_cast %mul3A_384 : i32 to index
      %swap3A_431 = tpu.vector_load %arg7[%swap3A_429, %swap3A_430] {strides = array<i32>} : memref<8x4096xf32, #tpu.memory_space<vmem>>, vector<16xf32>,
      tpu.vector_store %arg7[%swap3A_429, %swap3A_430], %gather3A_400 {strides = array<i32>} : memref<8x4096xf32, #tpu.memory_space<vmem>>, vector<16xf32>,
      %mul3A_432 = arith.constant 2 : i32
      %mul3A_433 = arith.muli %scan3A_377, %mul3A_432 : i32
      %add3A_434 = arith.constant 1 : i32
      %add3A_435 = arith.addi %mul3A_433, %add3A_434 : i32
      %mul3A_436 = arith.constant 16 : i32
      %mul3A_437 = arith.muli %add3A_435, %mul3A_436 : i32
      %get3A_438 = arith.index_cast %mul3A_437 : i32 to index
      %get3A_439 = tpu.vector_load %arg6[%get3A_438] {strides = array<i32>} : memref<4096xi32, #tpu.memory_space<vmem>>, vector<16xi32>,
      %add3A_440 = arith.addi %get3A_439, %broadcast_in_dim3A : vector<16xi32>
      %add3A_441 = arith.addi %get3A_439, %broadcast_in_dim3A_63 : vector<16xi32>
      %add3A_442 = arith.addi %get3A_439, %broadcast_in_dim3A_68 : vector<16xi32>
      %add3A_443 = arith.addi %get3A_439, %broadcast_in_dim3A_73 : vector<16xi32>
      %add3A_444 = arith.addi %get3A_439, %broadcast_in_dim3A_78 : vector<16xi32>
      %add3A_445 = arith.addi %get3A_439, %broadcast_in_dim3A_83 : vector<16xi32>
      %add3A_446 = arith.addi %get3A_439, %broadcast_in_dim3A_88 : vector<16xi32>
      %add3A_447 = arith.addi %get3A_439, %broadcast_in_dim3A_93 : vector<16xi32>
      %gather3A_448 = tpu.vector_load_idx %arg5[%add3A_440] : memref<32000xf32, #tpu.memory_space<vmem>>[vector<16xi32>], vector<16xf32>,
      %gather3A_449 = tpu.vector_load_idx %arg5[%add3A_441] : memref<32000xf32, #tpu.memory_space<vmem>>[vector<16xi32>], vector<16xf32>,
      %gather3A_450 = tpu.vector_load_idx %arg5[%add3A_442] : memref<32000xf32, #tpu.memory_space<vmem>>[vector<16xi32>], vector<16xf32>,
      %gather3A_451 = tpu.vector_load_idx %arg5[%add3A_443] : memref<32000xf32, #tpu.memory_space<vmem>>[vector<16xi32>], vector<16xf32>,
      %gather3A_452 = tpu.vector_load_idx %arg5[%add3A_444] : memref<32000xf32, #tpu.memory_space<vmem>>[vector<16xi32>], vector<16xf32>,
      %gather3A_453 = tpu.vector_load_idx %arg5[%add3A_445] : memref<32000xf32, #tpu.memory_space<vmem>>[vector<16xi32>], vector<16xf32>,
      %gather3A_454 = tpu.vector_load_idx %arg5[%add3A_446] : memref<32000xf32, #tpu.memory_space<vmem>>[vector<16xi32>], vector<16xf32>,
      %gather3A_455 = tpu.vector_load_idx %arg5[%add3A_447] : memref<32000xf32, #tpu.memory_space<vmem>>[vector<16xi32>], vector<16xf32>,
      %swap3A_456 = arith.constant 0 : i32
      %swap3A_457 = arith.index_cast %swap3A_456 : i32 to index
      %swap3A_458 = arith.index_cast %mul3A_437 : i32 to index
      %swap3A_459 = tpu.vector_load %arg7[%swap3A_457, %swap3A_458] {strides = array<i32>} : memref<8x4096xf32, #tpu.memory_space<vmem>>, vector<16xf32>,
      tpu.vector_store %arg7[%swap3A_457, %swap3A_458], %gather3A_448 {strides = array<i32>} : memref<8x4096xf32, #tpu.memory_space<vmem>>, vector<16xf32>,
      %swap3A_460 = arith.constant 1 : i32
      %swap3A_461 = arith.index_cast %swap3A_460 : i32 to index
      %swap3A_462 = arith.index_cast %mul3A_437 : i32 to index
      %swap3A_463 = tpu.vector_load %arg7[%swap3A_461, %swap3A_462] {strides = array<i32>} : memref<8x4096xf32, #tpu.memory_space<vmem>>, vector<16xf32>,
      tpu.vector_store %arg7[%swap3A_461, %swap3A_462], %gather3A_449 {strides = array<i32>} : memref<8x4096xf32, #tpu.memory_space<vmem>>, vector<16xf32>,
      %swap3A_464 = arith.constant 2 : i32
      %swap3A_465 = arith.index_cast %swap3A_464 : i32 to index
      %swap3A_466 = arith.index_cast %mul3A_437 : i32 to index
      %swap3A_467 = tpu.vector_load %arg7[%swap3A_465, %swap3A_466] {strides = array<i32>} : memref<8x4096xf32, #tpu.memory_space<vmem>>, vector<16xf32>,
      tpu.vector_store %arg7[%swap3A_465, %swap3A_466], %gather3A_450 {strides = array<i32>} : memref<8x4096xf32, #tpu.memory_space<vmem>>, vector<16xf32>,
      %swap3A_468 = arith.constant 3 : i32
      %swap3A_469 = arith.index_cast %swap3A_468 : i32 to index
      %swap3A_470 = arith.index_cast %mul3A_437 : i32 to index
      %swap3A_471 = tpu.vector_load %arg7[%swap3A_469, %swap3A_470] {strides = array<i32>} : memref<8x4096xf32, #tpu.memory_space<vmem>>, vector<16xf32>,
      tpu.vector_store %arg7[%swap3A_469, %swap3A_470], %gather3A_451 {strides = array<i32>} : memref<8x4096xf32, #tpu.memory_space<vmem>>, vector<16xf32>,
      %swap3A_472 = arith.constant 4 : i32
      %swap3A_473 = arith.index_cast %swap3A_472 : i32 to index
      %swap3A_474 = arith.index_cast %mul3A_437 : i32 to index
      %swap3A_475 = tpu.vector_load %arg7[%swap3A_473, %swap3A_474] {strides = array<i32>} : memref<8x4096xf32, #tpu.memory_space<vmem>>, vector<16xf32>,
      tpu.vector_store %arg7[%swap3A_473, %swap3A_474], %gather3A_452 {strides = array<i32>} : memref<8x4096xf32, #tpu.memory_space<vmem>>, vector<16xf32>,
      %swap3A_476 = arith.constant 5 : i32
      %swap3A_477 = arith.index_cast %swap3A_476 : i32 to index
      %swap3A_478 = arith.index_cast %mul3A_437 : i32 to index
      %swap3A_479 = tpu.vector_load %arg7[%swap3A_477, %swap3A_478] {strides = array<i32>} : memref<8x4096xf32, #tpu.memory_space<vmem>>, vector<16xf32>,
      tpu.vector_store %arg7[%swap3A_477, %swap3A_478], %gather3A_453 {strides = array<i32>} : memref<8x4096xf32, #tpu.memory_space<vmem>>, vector<16xf32>,
      %swap3A_480 = arith.constant 6 : i32
      %swap3A_481 = arith.index_cast %swap3A_480 : i32 to index
      %swap3A_482 = arith.index_cast %mul3A_437 : i32 to index
      %swap3A_483 = tpu.vector_load %arg7[%swap3A_481, %swap3A_482] {strides = array<i32>} : memref<8x4096xf32, #tpu.memory_space<vmem>>, vector<16xf32>,
      tpu.vector_store %arg7[%swap3A_481, %swap3A_482], %gather3A_454 {strides = array<i32>} : memref<8x4096xf32, #tpu.memory_space<vmem>>, vector<16xf32>,
      %swap3A_484 = arith.constant 7 : i32
      %swap3A_485 = arith.index_cast %swap3A_484 : i32 to index
      %swap3A_486 = arith.index_cast %mul3A_437 : i32 to index
      %swap3A_487 = tpu.vector_load %arg7[%swap3A_485, %swap3A_486] {strides = array<i32>} : memref<8x4096xf32, #tpu.memory_space<vmem>>, vector<16xf32>,
      tpu.vector_store %arg7[%swap3A_485, %swap3A_486], %gather3A_455 {strides = array<i32>} : memref<8x4096xf32, #tpu.memory_space<vmem>>, vector<16xf32>,
      %scan3A_488 = arith.constant 0 : i32
      scf.yield %scan3A_488 : i32
    }
    %scan3A_99 = arith.constant 128 : i32
    %dma_start3A = arith.constant 0 : i32
    %dma_start3A_100 = tpu.memref_slice %arg4[%select_n3A, %mul3A_34, %dma_start3A] : memref<200x32x4096xf32, #tpu.memory_space<hbm>> -> memref<1x8x4096xf32, #tpu.memory_space<hbm>>
    %dma_start3A_101 = tpu.memref_squeeze %dma_start3A_100 : memref<1x8x4096xf32, #tpu.memory_space<hbm>> -> memref<8x4096xf32, #tpu.memory_space<hbm>>
    %dma_start3A_102 = arith.constant 0 : i32
    %dma_start3A_103 = tpu.memref_slice %arg4[%select_n3A, %mul3A_34, %dma_start3A_102] : memref<200x32x4096xf32, #tpu.memory_space<hbm>> -> memref<1x8x4096xf32, #tpu.memory_space<hbm>>
    %dma_start3A_104 = tpu.memref_squeeze %dma_start3A_103 : memref<1x8x4096xf32, #tpu.memory_space<hbm>> -> memref<8x4096xf32, #tpu.memory_space<hbm>>
    tpu.enqueue_dma source(%arg7 : memref<8x4096xf32, #tpu.memory_space<vmem>>) target(%dma_start3A_104 : memref<8x4096xf32, #tpu.memory_space<hbm>>) target_semaphore(%arg9 : memref<!tpu.dma_semaphore, #tpu.memory_space<semaphore_mem>>)
    %add3A_105 = arith.constant 1 : i32
    %add3A_106 = arith.addi %mul3A_2, %add3A_105 : i32
    %jit3A_107 = arith.constant 4 : i32
    %div3A_108 = arith.divsi %add3A_106, %jit3A_107 : i32
    %sign3A_109 = arith.constant 0 : i32
    %sign3A_110 = arith.cmpi sgt, %add3A_106, %sign3A_109 : i32
    %sign3A_111 = arith.extui %sign3A_110 : i1 to i32
    %sign3A_112 = arith.constant 0 : i32
    %sign3A_113 = arith.cmpi slt, %add3A_106, %sign3A_112 : i32
    %sign3A_114 = arith.extui %sign3A_113 : i1 to i32
    %sign3A_115 = arith.subi %sign3A_111, %sign3A_114 : i32
    %sign3A_116 = arith.constant 0 : i32
    %sign3A_117 = arith.cmpi sgt, %jit3A_107, %sign3A_116 : i32
    %sign3A_118 = arith.extui %sign3A_117 : i1 to i32
    %sign3A_119 = arith.constant 0 : i32
    %sign3A_120 = arith.cmpi slt, %jit3A_107, %sign3A_119 : i32
    %sign3A_121 = arith.extui %sign3A_120 : i1 to i32
    %sign3A_122 = arith.subi %sign3A_118, %sign3A_121 : i32
    %ne3A_123 = arith.cmpi ne, %sign3A_115, %sign3A_122 : i32
    %rem3A_124 = arith.remsi %add3A_106, %jit3A_107 : i32
    %ne3A_125 = arith.constant 0 : i32
    %ne3A_126 = arith.cmpi ne, %rem3A_124, %ne3A_125 : i32
    %and3A_127 = arith.andi %ne3A_123, %ne3A_126 : i1
    %sub3A_128 = arith.constant 1 : i32
    %sub3A_129 = arith.subi %div3A_108, %sub3A_128 : i32
    %select_n3A_130 = arith.select %and3A_127, %sub3A_129, %div3A_108 : i32
    %jit3A_131 = arith.constant 4 : i32
    %eq3A_132 = arith.constant 0 : i32
    %eq3A_133 = arith.cmpi eq, %jit3A_131, %eq3A_132 : i32
    %jit3A_134 = arith.constant 1 : i32
    %select_n3A_135 = arith.select %eq3A_133, %jit3A_134, %jit3A_131 : i32
    %rem3A_136 = arith.remsi %add3A_106, %select_n3A_135 : i32
    %ne3A_137 = arith.constant 0 : i32
    %ne3A_138 = arith.cmpi ne, %rem3A_136, %ne3A_137 : i32
    %lt3A_139 = arith.constant 0 : i32
    %lt3A_140 = arith.cmpi slt, %rem3A_136, %lt3A_139 : i32
    %lt3A_141 = arith.constant 0 : i32
    %lt3A_142 = arith.cmpi slt, %select_n3A_135, %lt3A_141 : i32
    %ne3A_143 = arith.xori %lt3A_140, %lt3A_142 : i1
    %and3A_144 = arith.andi %ne3A_143, %ne3A_138 : i1
    %add3A_145 = arith.addi %rem3A_136, %select_n3A_135 : i32
    %select_n3A_146 = arith.select %and3A_144, %add3A_145, %rem3A_136 : i32
    %mul3A_147 = arith.constant 8 : i32
    %mul3A_148 = arith.muli %select_n3A_146, %mul3A_147 : i32
    %jit3A_149 = arith.constant 4 : i32
    %eq3A_150 = arith.constant 0 : i32
    %eq3A_151 = arith.cmpi eq, %jit3A_149, %eq3A_150 : i32
    %jit3A_152 = arith.constant 1 : i32
    %select_n3A_153 = arith.select %eq3A_151, %jit3A_152, %jit3A_149 : i32
    %rem3A_154 = arith.remsi %add3A_106, %select_n3A_153 : i32
    %ne3A_155 = arith.constant 0 : i32
    %ne3A_156 = arith.cmpi ne, %rem3A_154, %ne3A_155 : i32
    %lt3A_157 = arith.constant 0 : i32
    %lt3A_158 = arith.cmpi slt, %rem3A_154, %lt3A_157 : i32
    %lt3A_159 = arith.constant 0 : i32
    %lt3A_160 = arith.cmpi slt, %select_n3A_153, %lt3A_159 : i32
    %ne3A_161 = arith.xori %lt3A_158, %lt3A_160 : i1
    %and3A_162 = arith.andi %ne3A_161, %ne3A_156 : i1
    %add3A_163 = arith.addi %rem3A_154, %select_n3A_153 : i32
    %select_n3A_164 = arith.select %and3A_162, %add3A_163, %rem3A_154 : i32
    %eq3A_165 = arith.constant 0 : i32
    %eq3A_166 = arith.cmpi eq, %select_n3A_164, %eq3A_165 : i32
    %eq3A_167 = arith.cmpi eq, %add3A_106, %mul3A_2 : i32
    %or3A_168 = arith.ori %eq3A_166, %eq3A_167 : i1
    %convert_element_type3A_169 = arith.extui %or3A_168 : i1 to i32
    %cond3A_170 = arith.constant 0 : i32
    %cond3A_171 = arith.cmpi ne, %convert_element_type3A_169, %cond3A_170 : i32
    scf.if %cond3A_171 {
      %mul3A_377 = arith.constant 4096 : i32
      %mul3A_378 = arith.muli %select_n3A_130, %mul3A_377 : i32
      "tpu.region"() ({
        %run_scoped3A = tpu.sem_alloc : memref<!tpu.dma_semaphore, #tpu.memory_space<semaphore_mem>>
        %dma_start3A_379 = tpu.memref_slice %arg3[%mul3A_378] : memref<819200xi32, #tpu.memory_space<hbm>> -> memref<4096xi32, #tpu.memory_space<hbm>>
        %dma_start3A_380 = tpu.memref_slice %arg3[%mul3A_378] : memref<819200xi32, #tpu.memory_space<hbm>> -> memref<4096xi32, #tpu.memory_space<hbm>>
        tpu.enqueue_dma source(%dma_start3A_380 : memref<4096xi32, #tpu.memory_space<hbm>>) target(%arg6 : memref<4096xi32, #tpu.memory_space<vmem>>) target_semaphore(%run_scoped3A : memref<!tpu.dma_semaphore, #tpu.memory_space<semaphore_mem>>)
        %dma_wait3A_381 = tpu.memref_slice %arg3[%mul3A_378] : memref<819200xi32, #tpu.memory_space<hbm>> -> memref<4096xi32, #tpu.memory_space<hbm>>
        %dma_wait3A_382 = tpu.memref_slice %arg3[%mul3A_378] : memref<819200xi32, #tpu.memory_space<hbm>> -> memref<4096xi32, #tpu.memory_space<hbm>>
        tpu.wait_dma2 semaphore(%run_scoped3A : memref<!tpu.dma_semaphore, #tpu.memory_space<semaphore_mem>>) src(%dma_wait3A_382 : memref<4096xi32, #tpu.memory_space<hbm>>) dst(%arg6 : memref<4096xi32, #tpu.memory_space<vmem>>)
        tpu.yield
      }) : () -> ()
    } else {
    }
    %add3A_172 = arith.constant 0 : i32
    %add3A_173 = arith.addi %mul3A_148, %add3A_172 : i32
    %mul3A_174 = arith.constant 1000 : i32
    %mul3A_175 = arith.muli %add3A_173, %mul3A_174 : i32
    %broadcast_in_dim3A_176 = vector.broadcast %mul3A_175 : i32 to vector<16xi32>
    %add3A_177 = arith.constant 1 : i32
    %add3A_178 = arith.addi %mul3A_148, %add3A_177 : i32
    %mul3A_179 = arith.constant 1000 : i32
    %mul3A_180 = arith.muli %add3A_178, %mul3A_179 : i32
    %broadcast_in_dim3A_181 = vector.broadcast %mul3A_180 : i32 to vector<16xi32>
    %add3A_182 = arith.constant 2 : i32
    %add3A_183 = arith.addi %mul3A_148, %add3A_182 : i32
    %mul3A_184 = arith.constant 1000 : i32
    %mul3A_185 = arith.muli %add3A_183, %mul3A_184 : i32
    %broadcast_in_dim3A_186 = vector.broadcast %mul3A_185 : i32 to vector<16xi32>
    %add3A_187 = arith.constant 3 : i32
    %add3A_188 = arith.addi %mul3A_148, %add3A_187 : i32
    %mul3A_189 = arith.constant 1000 : i32
    %mul3A_190 = arith.muli %add3A_188, %mul3A_189 : i32
    %broadcast_in_dim3A_191 = vector.broadcast %mul3A_190 : i32 to vector<16xi32>
    %add3A_192 = arith.constant 4 : i32
    %add3A_193 = arith.addi %mul3A_148, %add3A_192 : i32
    %mul3A_194 = arith.constant 1000 : i32
    %mul3A_195 = arith.muli %add3A_193, %mul3A_194 : i32
    %broadcast_in_dim3A_196 = vector.broadcast %mul3A_195 : i32 to vector<16xi32>
    %add3A_197 = arith.constant 5 : i32
    %add3A_198 = arith.addi %mul3A_148, %add3A_197 : i32
    %mul3A_199 = arith.constant 1000 : i32
    %mul3A_200 = arith.muli %add3A_198, %mul3A_199 : i32
    %broadcast_in_dim3A_201 = vector.broadcast %mul3A_200 : i32 to vector<16xi32>
    %add3A_202 = arith.constant 6 : i32
    %add3A_203 = arith.addi %mul3A_148, %add3A_202 : i32
    %mul3A_204 = arith.constant 1000 : i32
    %mul3A_205 = arith.muli %add3A_203, %mul3A_204 : i32
    %broadcast_in_dim3A_206 = vector.broadcast %mul3A_205 : i32 to vector<16xi32>
    %add3A_207 = arith.constant 7 : i32
    %add3A_208 = arith.addi %mul3A_148, %add3A_207 : i32
    %mul3A_209 = arith.constant 1000 : i32
    %mul3A_210 = arith.muli %add3A_208, %mul3A_209 : i32
    %broadcast_in_dim3A_211 = vector.broadcast %mul3A_210 : i32 to vector<16xi32>
    %scan3A_212 = arith.constant 0 : i32
    %scan3A_213 = arith.constant 0 : i32
    %scan3A_214 = arith.constant 128 : i32
    %scan3A_215 = arith.addi %scan3A_213, %scan3A_214 : i32
    %scan3A_216 = arith.constant 1 : i32
    %scan3A_217 = scf.for %scan3A_377 = %scan3A_213 to %scan3A_215 step %scan3A_216 iter_args(%scan3A_378 = %scan3A_212) -> (i32)  : i32 {
      %mul3A_379 = arith.constant 2 : i32
      %mul3A_380 = arith.muli %scan3A_377, %mul3A_379 : i32
      %add3A_381 = arith.constant 0 : i32
      %add3A_382 = arith.addi %mul3A_380, %add3A_381 : i32
      %mul3A_383 = arith.constant 16 : i32
      %mul3A_384 = arith.muli %add3A_382, %mul3A_383 : i32
      %get3A = arith.index_cast %mul3A_384 : i32 to index
      %get3A_385 = tpu.vector_load %arg6[%get3A] {strides = array<i32>} : memref<4096xi32, #tpu.memory_space<vmem>>, vector<16xi32>,
      %add3A_386 = arith.addi %get3A_385, %broadcast_in_dim3A_176 : vector<16xi32>
      %add3A_387 = arith.addi %get3A_385, %broadcast_in_dim3A_181 : vector<16xi32>
      %add3A_388 = arith.addi %get3A_385, %broadcast_in_dim3A_186 : vector<16xi32>
      %add3A_389 = arith.addi %get3A_385, %broadcast_in_dim3A_191 : vector<16xi32>
      %add3A_390 = arith.addi %get3A_385, %broadcast_in_dim3A_196 : vector<16xi32>
      %add3A_391 = arith.addi %get3A_385, %broadcast_in_dim3A_201 : vector<16xi32>
      %add3A_392 = arith.addi %get3A_385, %broadcast_in_dim3A_206 : vector<16xi32>
      %add3A_393 = arith.addi %get3A_385, %broadcast_in_dim3A_211 : vector<16xi32>
      %gather3A = tpu.vector_load_idx %arg5[%add3A_386] : memref<32000xf32, #tpu.memory_space<vmem>>[vector<16xi32>], vector<16xf32>,
      %gather3A_394 = tpu.vector_load_idx %arg5[%add3A_387] : memref<32000xf32, #tpu.memory_space<vmem>>[vector<16xi32>], vector<16xf32>,
      %gather3A_395 = tpu.vector_load_idx %arg5[%add3A_388] : memref<32000xf32, #tpu.memory_space<vmem>>[vector<16xi32>], vector<16xf32>,
      %gather3A_396 = tpu.vector_load_idx %arg5[%add3A_389] : memref<32000xf32, #tpu.memory_space<vmem>>[vector<16xi32>], vector<16xf32>,
      %gather3A_397 = tpu.vector_load_idx %arg5[%add3A_390] : memref<32000xf32, #tpu.memory_space<vmem>>[vector<16xi32>], vector<16xf32>,
      %gather3A_398 = tpu.vector_load_idx %arg5[%add3A_391] : memref<32000xf32, #tpu.memory_space<vmem>>[vector<16xi32>], vector<16xf32>,
      %gather3A_399 = tpu.vector_load_idx %arg5[%add3A_392] : memref<32000xf32, #tpu.memory_space<vmem>>[vector<16xi32>], vector<16xf32>,
      %gather3A_400 = tpu.vector_load_idx %arg5[%add3A_393] : memref<32000xf32, #tpu.memory_space<vmem>>[vector<16xi32>], vector<16xf32>,
      %swap3A = arith.constant 0 : i32
      %swap3A_401 = arith.index_cast %swap3A : i32 to index
      %swap3A_402 = arith.index_cast %mul3A_384 : i32 to index
      %swap3A_403 = tpu.vector_load %arg8[%swap3A_401, %swap3A_402] {strides = array<i32>} : memref<8x4096xf32, #tpu.memory_space<vmem>>, vector<16xf32>,
      tpu.vector_store %arg8[%swap3A_401, %swap3A_402], %gather3A {strides = array<i32>} : memref<8x4096xf32, #tpu.memory_space<vmem>>, vector<16xf32>,
      %swap3A_404 = arith.constant 1 : i32
      %swap3A_405 = arith.index_cast %swap3A_404 : i32 to index
      %swap3A_406 = arith.index_cast %mul3A_384 : i32 to index
      %swap3A_407 = tpu.vector_load %arg8[%swap3A_405, %swap3A_406] {strides = array<i32>} : memref<8x4096xf32, #tpu.memory_space<vmem>>, vector<16xf32>,
      tpu.vector_store %arg8[%swap3A_405, %swap3A_406], %gather3A_394 {strides = array<i32>} : memref<8x4096xf32, #tpu.memory_space<vmem>>, vector<16xf32>,
      %swap3A_408 = arith.constant 2 : i32
      %swap3A_409 = arith.index_cast %swap3A_408 : i32 to index
      %swap3A_410 = arith.index_cast %mul3A_384 : i32 to index
      %swap3A_411 = tpu.vector_load %arg8[%swap3A_409, %swap3A_410] {strides = array<i32>} : memref<8x4096xf32, #tpu.memory_space<vmem>>, vector<16xf32>,
      tpu.vector_store %arg8[%swap3A_409, %swap3A_410], %gather3A_395 {strides = array<i32>} : memref<8x4096xf32, #tpu.memory_space<vmem>>, vector<16xf32>,
      %swap3A_412 = arith.constant 3 : i32
      %swap3A_413 = arith.index_cast %swap3A_412 : i32 to index
      %swap3A_414 = arith.index_cast %mul3A_384 : i32 to index
      %swap3A_415 = tpu.vector_load %arg8[%swap3A_413, %swap3A_414] {strides = array<i32>} : memref<8x4096xf32, #tpu.memory_space<vmem>>, vector<16xf32>,
      tpu.vector_store %arg8[%swap3A_413, %swap3A_414], %gather3A_396 {strides = array<i32>} : memref<8x4096xf32, #tpu.memory_space<vmem>>, vector<16xf32>,
      %swap3A_416 = arith.constant 4 : i32
      %swap3A_417 = arith.index_cast %swap3A_416 : i32 to index
      %swap3A_418 = arith.index_cast %mul3A_384 : i32 to index
      %swap3A_419 = tpu.vector_load %arg8[%swap3A_417, %swap3A_418] {strides = array<i32>} : memref<8x4096xf32, #tpu.memory_space<vmem>>, vector<16xf32>,
      tpu.vector_store %arg8[%swap3A_417, %swap3A_418], %gather3A_397 {strides = array<i32>} : memref<8x4096xf32, #tpu.memory_space<vmem>>, vector<16xf32>,
      %swap3A_420 = arith.constant 5 : i32
      %swap3A_421 = arith.index_cast %swap3A_420 : i32 to index
      %swap3A_422 = arith.index_cast %mul3A_384 : i32 to index
      %swap3A_423 = tpu.vector_load %arg8[%swap3A_421, %swap3A_422] {strides = array<i32>} : memref<8x4096xf32, #tpu.memory_space<vmem>>, vector<16xf32>,
      tpu.vector_store %arg8[%swap3A_421, %swap3A_422], %gather3A_398 {strides = array<i32>} : memref<8x4096xf32, #tpu.memory_space<vmem>>, vector<16xf32>,
      %swap3A_424 = arith.constant 6 : i32
      %swap3A_425 = arith.index_cast %swap3A_424 : i32 to index
      %swap3A_426 = arith.index_cast %mul3A_384 : i32 to index
      %swap3A_427 = tpu.vector_load %arg8[%swap3A_425, %swap3A_426] {strides = array<i32>} : memref<8x4096xf32, #tpu.memory_space<vmem>>, vector<16xf32>,
      tpu.vector_store %arg8[%swap3A_425, %swap3A_426], %gather3A_399 {strides = array<i32>} : memref<8x4096xf32, #tpu.memory_space<vmem>>, vector<16xf32>,
      %swap3A_428 = arith.constant 7 : i32
      %swap3A_429 = arith.index_cast %swap3A_428 : i32 to index
      %swap3A_430 = arith.index_cast %mul3A_384 : i32 to index
      %swap3A_431 = tpu.vector_load %arg8[%swap3A_429, %swap3A_430] {strides = array<i32>} : memref<8x4096xf32, #tpu.memory_space<vmem>>, vector<16xf32>,
      tpu.vector_store %arg8[%swap3A_429, %swap3A_430], %gather3A_400 {strides = array<i32>} : memref<8x4096xf32, #tpu.memory_space<vmem>>, vector<16xf32>,
      %mul3A_432 = arith.constant 2 : i32
      %mul3A_433 = arith.muli %scan3A_377, %mul3A_432 : i32
      %add3A_434 = arith.constant 1 : i32
      %add3A_435 = arith.addi %mul3A_433, %add3A_434 : i32
      %mul3A_436 = arith.constant 16 : i32
      %mul3A_437 = arith.muli %add3A_435, %mul3A_436 : i32
      %get3A_438 = arith.index_cast %mul3A_437 : i32 to index
      %get3A_439 = tpu.vector_load %arg6[%get3A_438] {strides = array<i32>} : memref<4096xi32, #tpu.memory_space<vmem>>, vector<16xi32>,
      %add3A_440 = arith.addi %get3A_439, %broadcast_in_dim3A_176 : vector<16xi32>
      %add3A_441 = arith.addi %get3A_439, %broadcast_in_dim3A_181 : vector<16xi32>
      %add3A_442 = arith.addi %get3A_439, %broadcast_in_dim3A_186 : vector<16xi32>
      %add3A_443 = arith.addi %get3A_439, %broadcast_in_dim3A_191 : vector<16xi32>
      %add3A_444 = arith.addi %get3A_439, %broadcast_in_dim3A_196 : vector<16xi32>
      %add3A_445 = arith.addi %get3A_439, %broadcast_in_dim3A_201 : vector<16xi32>
      %add3A_446 = arith.addi %get3A_439, %broadcast_in_dim3A_206 : vector<16xi32>
      %add3A_447 = arith.addi %get3A_439, %broadcast_in_dim3A_211 : vector<16xi32>
      %gather3A_448 = tpu.vector_load_idx %arg5[%add3A_440] : memref<32000xf32, #tpu.memory_space<vmem>>[vector<16xi32>], vector<16xf32>,
      %gather3A_449 = tpu.vector_load_idx %arg5[%add3A_441] : memref<32000xf32, #tpu.memory_space<vmem>>[vector<16xi32>], vector<16xf32>,
      %gather3A_450 = tpu.vector_load_idx %arg5[%add3A_442] : memref<32000xf32, #tpu.memory_space<vmem>>[vector<16xi32>], vector<16xf32>,
      %gather3A_451 = tpu.vector_load_idx %arg5[%add3A_443] : memref<32000xf32, #tpu.memory_space<vmem>>[vector<16xi32>], vector<16xf32>,
      %gather3A_452 = tpu.vector_load_idx %arg5[%add3A_444] : memref<32000xf32, #tpu.memory_space<vmem>>[vector<16xi32>], vector<16xf32>,
      %gather3A_453 = tpu.vector_load_idx %arg5[%add3A_445] : memref<32000xf32, #tpu.memory_space<vmem>>[vector<16xi32>], vector<16xf32>,
      %gather3A_454 = tpu.vector_load_idx %arg5[%add3A_446] : memref<32000xf32, #tpu.memory_space<vmem>>[vector<16xi32>], vector<16xf32>,
      %gather3A_455 = tpu.vector_load_idx %arg5[%add3A_447] : memref<32000xf32, #tpu.memory_space<vmem>>[vector<16xi32>], vector<16xf32>,
      %swap3A_456 = arith.constant 0 : i32
      %swap3A_457 = arith.index_cast %swap3A_456 : i32 to index
      %swap3A_458 = arith.index_cast %mul3A_437 : i32 to index
      %swap3A_459 = tpu.vector_load %arg8[%swap3A_457, %swap3A_458] {strides = array<i32>} : memref<8x4096xf32, #tpu.memory_space<vmem>>, vector<16xf32>,
      tpu.vector_store %arg8[%swap3A_457, %swap3A_458], %gather3A_448 {strides = array<i32>} : memref<8x4096xf32, #tpu.memory_space<vmem>>, vector<16xf32>,
      %swap3A_460 = arith.constant 1 : i32
      %swap3A_461 = arith.index_cast %swap3A_460 : i32 to index
      %swap3A_462 = arith.index_cast %mul3A_437 : i32 to index
      %swap3A_463 = tpu.vector_load %arg8[%swap3A_461, %swap3A_462] {strides = array<i32>} : memref<8x4096xf32, #tpu.memory_space<vmem>>, vector<16xf32>,
      tpu.vector_store %arg8[%swap3A_461, %swap3A_462], %gather3A_449 {strides = array<i32>} : memref<8x4096xf32, #tpu.memory_space<vmem>>, vector<16xf32>,
      %swap3A_464 = arith.constant 2 : i32
      %swap3A_465 = arith.index_cast %swap3A_464 : i32 to index
      %swap3A_466 = arith.index_cast %mul3A_437 : i32 to index
      %swap3A_467 = tpu.vector_load %arg8[%swap3A_465, %swap3A_466] {strides = array<i32>} : memref<8x4096xf32, #tpu.memory_space<vmem>>, vector<16xf32>,
      tpu.vector_store %arg8[%swap3A_465, %swap3A_466], %gather3A_450 {strides = array<i32>} : memref<8x4096xf32, #tpu.memory_space<vmem>>, vector<16xf32>,
      %swap3A_468 = arith.constant 3 : i32
      %swap3A_469 = arith.index_cast %swap3A_468 : i32 to index
      %swap3A_470 = arith.index_cast %mul3A_437 : i32 to index
      %swap3A_471 = tpu.vector_load %arg8[%swap3A_469, %swap3A_470] {strides = array<i32>} : memref<8x4096xf32, #tpu.memory_space<vmem>>, vector<16xf32>,
      tpu.vector_store %arg8[%swap3A_469, %swap3A_470], %gather3A_451 {strides = array<i32>} : memref<8x4096xf32, #tpu.memory_space<vmem>>, vector<16xf32>,
      %swap3A_472 = arith.constant 4 : i32
      %swap3A_473 = arith.index_cast %swap3A_472 : i32 to index
      %swap3A_474 = arith.index_cast %mul3A_437 : i32 to index
      %swap3A_475 = tpu.vector_load %arg8[%swap3A_473, %swap3A_474] {strides = array<i32>} : memref<8x4096xf32, #tpu.memory_space<vmem>>, vector<16xf32>,
      tpu.vector_store %arg8[%swap3A_473, %swap3A_474], %gather3A_452 {strides = array<i32>} : memref<8x4096xf32, #tpu.memory_space<vmem>>, vector<16xf32>,
      %swap3A_476 = arith.constant 5 : i32
      %swap3A_477 = arith.index_cast %swap3A_476 : i32 to index
      %swap3A_478 = arith.index_cast %mul3A_437 : i32 to index
      %swap3A_479 = tpu.vector_load %arg8[%swap3A_477, %swap3A_478] {strides = array<i32>} : memref<8x4096xf32, #tpu.memory_space<vmem>>, vector<16xf32>,
      tpu.vector_store %arg8[%swap3A_477, %swap3A_478], %gather3A_453 {strides = array<i32>} : memref<8x4096xf32, #tpu.memory_space<vmem>>, vector<16xf32>,
      %swap3A_480 = arith.constant 6 : i32
      %swap3A_481 = arith.index_cast %swap3A_480 : i32 to index
      %swap3A_482 = arith.index_cast %mul3A_437 : i32 to index
      %swap3A_483 = tpu.vector_load %arg8[%swap3A_481, %swap3A_482] {strides = array<i32>} : memref<8x4096xf32, #tpu.memory_space<vmem>>, vector<16xf32>,
      tpu.vector_store %arg8[%swap3A_481, %swap3A_482], %gather3A_454 {strides = array<i32>} : memref<8x4096xf32, #tpu.memory_space<vmem>>, vector<16xf32>,
      %swap3A_484 = arith.constant 7 : i32
      %swap3A_485 = arith.index_cast %swap3A_484 : i32 to index
      %swap3A_486 = arith.index_cast %mul3A_437 : i32 to index
      %swap3A_487 = tpu.vector_load %arg8[%swap3A_485, %swap3A_486] {strides = array<i32>} : memref<8x4096xf32, #tpu.memory_space<vmem>>, vector<16xf32>,
      tpu.vector_store %arg8[%swap3A_485, %swap3A_486], %gather3A_455 {strides = array<i32>} : memref<8x4096xf32, #tpu.memory_space<vmem>>, vector<16xf32>,
      %scan3A_488 = arith.constant 0 : i32
      scf.yield %scan3A_488 : i32
    }
    %scan3A_218 = arith.constant 128 : i32
    %dma_start3A_219 = arith.constant 0 : i32
    %dma_start3A_220 = tpu.memref_slice %arg4[%select_n3A_130, %mul3A_148, %dma_start3A_219] : memref<200x32x4096xf32, #tpu.memory_space<hbm>> -> memref<1x8x4096xf32, #tpu.memory_space<hbm>>
    %dma_start3A_221 = tpu.memref_squeeze %dma_start3A_220 : memref<1x8x4096xf32, #tpu.memory_space<hbm>> -> memref<8x4096xf32, #tpu.memory_space<hbm>>
    %dma_start3A_222 = arith.constant 0 : i32
    %dma_start3A_223 = tpu.memref_slice %arg4[%select_n3A_130, %mul3A_148, %dma_start3A_222] : memref<200x32x4096xf32, #tpu.memory_space<hbm>> -> memref<1x8x4096xf32, #tpu.memory_space<hbm>>
    %dma_start3A_224 = tpu.memref_squeeze %dma_start3A_223 : memref<1x8x4096xf32, #tpu.memory_space<hbm>> -> memref<8x4096xf32, #tpu.memory_space<hbm>>
    tpu.enqueue_dma source(%arg8 : memref<8x4096xf32, #tpu.memory_space<vmem>>) target(%dma_start3A_224 : memref<8x4096xf32, #tpu.memory_space<hbm>>) target_semaphore(%arg9 : memref<!tpu.dma_semaphore, #tpu.memory_space<semaphore_mem>>)
    %scan3A_225 = arith.constant 0 : i32
    %scan3A_226 = arith.constant 1 : i32
    %scan3A_227 = arith.constant 11 : i32
    %scan3A_228 = arith.addi %scan3A_226, %scan3A_227 : i32
    %scan3A_229 = arith.constant 1 : i32
    %scan3A_230 = scf.for %scan3A_377 = %scan3A_226 to %scan3A_228 step %scan3A_229 iter_args(%scan3A_378 = %scan3A_225) -> (i32)  : i32 {
      %mul3A_379 = arith.constant 2 : i32
      %mul3A_380 = arith.muli %mul3A_379, %scan3A_377 : i32
      %add3A_381 = arith.addi %mul3A_2, %mul3A_380 : i32
      %add3A_382 = arith.constant 0 : i32
      %add3A_383 = arith.addi %add3A_381, %add3A_382 : i32
      %jit3A_384 = arith.constant 4 : i32
      %div3A_385 = arith.divsi %add3A_383, %jit3A_384 : i32
      %sign3A_386 = arith.constant 0 : i32
      %sign3A_387 = arith.cmpi sgt, %add3A_383, %sign3A_386 : i32
      %sign3A_388 = arith.extui %sign3A_387 : i1 to i32
      %sign3A_389 = arith.constant 0 : i32
      %sign3A_390 = arith.cmpi slt, %add3A_383, %sign3A_389 : i32
      %sign3A_391 = arith.extui %sign3A_390 : i1 to i32
      %sign3A_392 = arith.subi %sign3A_388, %sign3A_391 : i32
      %sign3A_393 = arith.constant 0 : i32
      %sign3A_394 = arith.cmpi sgt, %jit3A_384, %sign3A_393 : i32
      %sign3A_395 = arith.extui %sign3A_394 : i1 to i32
      %sign3A_396 = arith.constant 0 : i32
      %sign3A_397 = arith.cmpi slt, %jit3A_384, %sign3A_396 : i32
      %sign3A_398 = arith.extui %sign3A_397 : i1 to i32
      %sign3A_399 = arith.subi %sign3A_395, %sign3A_398 : i32
      %ne3A_400 = arith.cmpi ne, %sign3A_392, %sign3A_399 : i32
      %rem3A_401 = arith.remsi %add3A_383, %jit3A_384 : i32
      %ne3A_402 = arith.constant 0 : i32
      %ne3A_403 = arith.cmpi ne, %rem3A_401, %ne3A_402 : i32
      %and3A_404 = arith.andi %ne3A_400, %ne3A_403 : i1
      %sub3A_405 = arith.constant 1 : i32
      %sub3A_406 = arith.subi %div3A_385, %sub3A_405 : i32
      %select_n3A_407 = arith.select %and3A_404, %sub3A_406, %div3A_385 : i32
      %jit3A_408 = arith.constant 4 : i32
      %eq3A_409 = arith.constant 0 : i32
      %eq3A_410 = arith.cmpi eq, %jit3A_408, %eq3A_409 : i32
      %jit3A_411 = arith.constant 1 : i32
      %select_n3A_412 = arith.select %eq3A_410, %jit3A_411, %jit3A_408 : i32
      %rem3A_413 = arith.remsi %add3A_383, %select_n3A_412 : i32
      %ne3A_414 = arith.constant 0 : i32
      %ne3A_415 = arith.cmpi ne, %rem3A_413, %ne3A_414 : i32
      %lt3A_416 = arith.constant 0 : i32
      %lt3A_417 = arith.cmpi slt, %rem3A_413, %lt3A_416 : i32
      %lt3A_418 = arith.constant 0 : i32
      %lt3A_419 = arith.cmpi slt, %select_n3A_412, %lt3A_418 : i32
      %ne3A_420 = arith.xori %lt3A_417, %lt3A_419 : i1
      %and3A_421 = arith.andi %ne3A_420, %ne3A_415 : i1
      %add3A_422 = arith.addi %rem3A_413, %select_n3A_412 : i32
      %select_n3A_423 = arith.select %and3A_421, %add3A_422, %rem3A_413 : i32
      %mul3A_424 = arith.constant 8 : i32
      %mul3A_425 = arith.muli %select_n3A_423, %mul3A_424 : i32
      %jit3A_426 = arith.constant 4 : i32
      %eq3A_427 = arith.constant 0 : i32
      %eq3A_428 = arith.cmpi eq, %jit3A_426, %eq3A_427 : i32
      %jit3A_429 = arith.constant 1 : i32
      %select_n3A_430 = arith.select %eq3A_428, %jit3A_429, %jit3A_426 : i32
      %rem3A_431 = arith.remsi %add3A_383, %select_n3A_430 : i32
      %ne3A_432 = arith.constant 0 : i32
      %ne3A_433 = arith.cmpi ne, %rem3A_431, %ne3A_432 : i32
      %lt3A_434 = arith.constant 0 : i32
      %lt3A_435 = arith.cmpi slt, %rem3A_431, %lt3A_434 : i32
      %lt3A_436 = arith.constant 0 : i32
      %lt3A_437 = arith.cmpi slt, %select_n3A_430, %lt3A_436 : i32
      %ne3A_438 = arith.xori %lt3A_435, %lt3A_437 : i1
      %and3A_439 = arith.andi %ne3A_438, %ne3A_433 : i1
      %add3A_440 = arith.addi %rem3A_431, %select_n3A_430 : i32
      %select_n3A_441 = arith.select %and3A_439, %add3A_440, %rem3A_431 : i32
      %eq3A_442 = arith.constant 0 : i32
      %eq3A_443 = arith.cmpi eq, %select_n3A_441, %eq3A_442 : i32
      %eq3A_444 = arith.cmpi eq, %add3A_383, %mul3A_2 : i32
      %or3A_445 = arith.ori %eq3A_443, %eq3A_444 : i1
      %convert_element_type3A_446 = arith.extui %or3A_445 : i1 to i32
      %cond3A_447 = arith.constant 0 : i32
      %cond3A_448 = arith.cmpi ne, %convert_element_type3A_446, %cond3A_447 : i32
      scf.if %cond3A_448 {
        %mul3A_638 = arith.constant 4096 : i32
        %mul3A_639 = arith.muli %select_n3A_407, %mul3A_638 : i32
        "tpu.region"() ({
          %run_scoped3A = tpu.sem_alloc : memref<!tpu.dma_semaphore, #tpu.memory_space<semaphore_mem>>
          %dma_start3A_640 = tpu.memref_slice %arg3[%mul3A_639] : memref<819200xi32, #tpu.memory_space<hbm>> -> memref<4096xi32, #tpu.memory_space<hbm>>
          %dma_start3A_641 = tpu.memref_slice %arg3[%mul3A_639] : memref<819200xi32, #tpu.memory_space<hbm>> -> memref<4096xi32, #tpu.memory_space<hbm>>
          tpu.enqueue_dma source(%dma_start3A_641 : memref<4096xi32, #tpu.memory_space<hbm>>) target(%arg6 : memref<4096xi32, #tpu.memory_space<vmem>>) target_semaphore(%run_scoped3A : memref<!tpu.dma_semaphore, #tpu.memory_space<semaphore_mem>>)
          %dma_wait3A_642 = tpu.memref_slice %arg3[%mul3A_639] : memref<819200xi32, #tpu.memory_space<hbm>> -> memref<4096xi32, #tpu.memory_space<hbm>>
          %dma_wait3A_643 = tpu.memref_slice %arg3[%mul3A_639] : memref<819200xi32, #tpu.memory_space<hbm>> -> memref<4096xi32, #tpu.memory_space<hbm>>
          tpu.wait_dma2 semaphore(%run_scoped3A : memref<!tpu.dma_semaphore, #tpu.memory_space<semaphore_mem>>) src(%dma_wait3A_643 : memref<4096xi32, #tpu.memory_space<hbm>>) dst(%arg6 : memref<4096xi32, #tpu.memory_space<vmem>>)
          tpu.yield
        }) : () -> ()
      } else {
      }
      %dma_wait3A_449 = arith.constant 0 : i32
      %dma_wait3A_450 = tpu.memref_slice %arg4[%select_n3A_407, %mul3A_425, %dma_wait3A_449] : memref<200x32x4096xf32, #tpu.memory_space<hbm>> -> memref<1x8x4096xf32, #tpu.memory_space<hbm>>
      %dma_wait3A_451 = tpu.memref_squeeze %dma_wait3A_450 : memref<1x8x4096xf32, #tpu.memory_space<hbm>> -> memref<8x4096xf32, #tpu.memory_space<hbm>>
      %dma_wait3A_452 = arith.constant 0 : i32
      %dma_wait3A_453 = tpu.memref_slice %arg4[%select_n3A_407, %mul3A_425, %dma_wait3A_452] : memref<200x32x4096xf32, #tpu.memory_space<hbm>> -> memref<1x8x4096xf32, #tpu.memory_space<hbm>>
      %dma_wait3A_454 = tpu.memref_squeeze %dma_wait3A_453 : memref<1x8x4096xf32, #tpu.memory_space<hbm>> -> memref<8x4096xf32, #tpu.memory_space<hbm>>
      tpu.wait_dma2 semaphore(%arg9 : memref<!tpu.dma_semaphore, #tpu.memory_space<semaphore_mem>>) src(%arg7 : memref<8x4096xf32, #tpu.memory_space<vmem>>) dst(%dma_wait3A_454 : memref<8x4096xf32, #tpu.memory_space<hbm>>)
      %add3A_455 = arith.constant 0 : i32
      %add3A_456 = arith.addi %mul3A_425, %add3A_455 : i32
      %mul3A_457 = arith.constant 1000 : i32
      %mul3A_458 = arith.muli %add3A_456, %mul3A_457 : i32
      %broadcast_in_dim3A_459 = vector.broadcast %mul3A_458 : i32 to vector<16xi32>
      %add3A_460 = arith.constant 1 : i32
      %add3A_461 = arith.addi %mul3A_425, %add3A_460 : i32
      %mul3A_462 = arith.constant 1000 : i32
      %mul3A_463 = arith.muli %add3A_461, %mul3A_462 : i32
      %broadcast_in_dim3A_464 = vector.broadcast %mul3A_463 : i32 to vector<16xi32>
      %add3A_465 = arith.constant 2 : i32
      %add3A_466 = arith.addi %mul3A_425, %add3A_465 : i32
      %mul3A_467 = arith.constant 1000 : i32
      %mul3A_468 = arith.muli %add3A_466, %mul3A_467 : i32
      %broadcast_in_dim3A_469 = vector.broadcast %mul3A_468 : i32 to vector<16xi32>
      %add3A_470 = arith.constant 3 : i32
      %add3A_471 = arith.addi %mul3A_425, %add3A_470 : i32
      %mul3A_472 = arith.constant 1000 : i32
      %mul3A_473 = arith.muli %add3A_471, %mul3A_472 : i32
      %broadcast_in_dim3A_474 = vector.broadcast %mul3A_473 : i32 to vector<16xi32>
      %add3A_475 = arith.constant 4 : i32
      %add3A_476 = arith.addi %mul3A_425, %add3A_475 : i32
      %mul3A_477 = arith.constant 1000 : i32
      %mul3A_478 = arith.muli %add3A_476, %mul3A_477 : i32
      %broadcast_in_dim3A_479 = vector.broadcast %mul3A_478 : i32 to vector<16xi32>
      %add3A_480 = arith.constant 5 : i32
      %add3A_481 = arith.addi %mul3A_425, %add3A_480 : i32
      %mul3A_482 = arith.constant 1000 : i32
      %mul3A_483 = arith.muli %add3A_481, %mul3A_482 : i32
      %broadcast_in_dim3A_484 = vector.broadcast %mul3A_483 : i32 to vector<16xi32>
      %add3A_485 = arith.constant 6 : i32
      %add3A_486 = arith.addi %mul3A_425, %add3A_485 : i32
      %mul3A_487 = arith.constant 1000 : i32
      %mul3A_488 = arith.muli %add3A_486, %mul3A_487 : i32
      %broadcast_in_dim3A_489 = vector.broadcast %mul3A_488 : i32 to vector<16xi32>
      %add3A_490 = arith.constant 7 : i32
      %add3A_491 = arith.addi %mul3A_425, %add3A_490 : i32
      %mul3A_492 = arith.constant 1000 : i32
      %mul3A_493 = arith.muli %add3A_491, %mul3A_492 : i32
      %broadcast_in_dim3A_494 = vector.broadcast %mul3A_493 : i32 to vector<16xi32>
      %scan3A_495 = arith.constant 0 : i32
      %scan3A_496 = arith.constant 0 : i32
      %scan3A_497 = arith.constant 128 : i32
      %scan3A_498 = arith.addi %scan3A_496, %scan3A_497 : i32
      %scan3A_499 = arith.constant 1 : i32
      %scan3A_500 = scf.for %scan3A_638 = %scan3A_496 to %scan3A_498 step %scan3A_499 iter_args(%scan3A_639 = %scan3A_495) -> (i32)  : i32 {
        %mul3A_640 = arith.constant 2 : i32
        %mul3A_641 = arith.muli %scan3A_638, %mul3A_640 : i32
        %add3A_642 = arith.constant 0 : i32
        %add3A_643 = arith.addi %mul3A_641, %add3A_642 : i32
        %mul3A_644 = arith.constant 16 : i32
        %mul3A_645 = arith.muli %add3A_643, %mul3A_644 : i32
        %get3A = arith.index_cast %mul3A_645 : i32 to index
        %get3A_646 = tpu.vector_load %arg6[%get3A] {strides = array<i32>} : memref<4096xi32, #tpu.memory_space<vmem>>, vector<16xi32>,
        %add3A_647 = arith.addi %get3A_646, %broadcast_in_dim3A_459 : vector<16xi32>
        %add3A_648 = arith.addi %get3A_646, %broadcast_in_dim3A_464 : vector<16xi32>
        %add3A_649 = arith.addi %get3A_646, %broadcast_in_dim3A_469 : vector<16xi32>
        %add3A_650 = arith.addi %get3A_646, %broadcast_in_dim3A_474 : vector<16xi32>
        %add3A_651 = arith.addi %get3A_646, %broadcast_in_dim3A_479 : vector<16xi32>
        %add3A_652 = arith.addi %get3A_646, %broadcast_in_dim3A_484 : vector<16xi32>
        %add3A_653 = arith.addi %get3A_646, %broadcast_in_dim3A_489 : vector<16xi32>
        %add3A_654 = arith.addi %get3A_646, %broadcast_in_dim3A_494 : vector<16xi32>
        %gather3A = tpu.vector_load_idx %arg5[%add3A_647] : memref<32000xf32, #tpu.memory_space<vmem>>[vector<16xi32>], vector<16xf32>,
        %gather3A_655 = tpu.vector_load_idx %arg5[%add3A_648] : memref<32000xf32, #tpu.memory_space<vmem>>[vector<16xi32>], vector<16xf32>,
        %gather3A_656 = tpu.vector_load_idx %arg5[%add3A_649] : memref<32000xf32, #tpu.memory_space<vmem>>[vector<16xi32>], vector<16xf32>,
        %gather3A_657 = tpu.vector_load_idx %arg5[%add3A_650] : memref<32000xf32, #tpu.memory_space<vmem>>[vector<16xi32>], vector<16xf32>,
        %gather3A_658 = tpu.vector_load_idx %arg5[%add3A_651] : memref<32000xf32, #tpu.memory_space<vmem>>[vector<16xi32>], vector<16xf32>,
        %gather3A_659 = tpu.vector_load_idx %arg5[%add3A_652] : memref<32000xf32, #tpu.memory_space<vmem>>[vector<16xi32>], vector<16xf32>,
        %gather3A_660 = tpu.vector_load_idx %arg5[%add3A_653] : memref<32000xf32, #tpu.memory_space<vmem>>[vector<16xi32>], vector<16xf32>,
        %gather3A_661 = tpu.vector_load_idx %arg5[%add3A_654] : memref<32000xf32, #tpu.memory_space<vmem>>[vector<16xi32>], vector<16xf32>,
        %swap3A = arith.constant 0 : i32
        %swap3A_662 = arith.index_cast %swap3A : i32 to index
        %swap3A_663 = arith.index_cast %mul3A_645 : i32 to index
        %swap3A_664 = tpu.vector_load %arg7[%swap3A_662, %swap3A_663] {strides = array<i32>} : memref<8x4096xf32, #tpu.memory_space<vmem>>, vector<16xf32>,
        tpu.vector_store %arg7[%swap3A_662, %swap3A_663], %gather3A {strides = array<i32>} : memref<8x4096xf32, #tpu.memory_space<vmem>>, vector<16xf32>,
        %swap3A_665 = arith.constant 1 : i32
        %swap3A_666 = arith.index_cast %swap3A_665 : i32 to index
        %swap3A_667 = arith.index_cast %mul3A_645 : i32 to index
        %swap3A_668 = tpu.vector_load %arg7[%swap3A_666, %swap3A_667] {strides = array<i32>} : memref<8x4096xf32, #tpu.memory_space<vmem>>, vector<16xf32>,
        tpu.vector_store %arg7[%swap3A_666, %swap3A_667], %gather3A_655 {strides = array<i32>} : memref<8x4096xf32, #tpu.memory_space<vmem>>, vector<16xf32>,
        %swap3A_669 = arith.constant 2 : i32
        %swap3A_670 = arith.index_cast %swap3A_669 : i32 to index
        %swap3A_671 = arith.index_cast %mul3A_645 : i32 to index
        %swap3A_672 = tpu.vector_load %arg7[%swap3A_670, %swap3A_671] {strides = array<i32>} : memref<8x4096xf32, #tpu.memory_space<vmem>>, vector<16xf32>,
        tpu.vector_store %arg7[%swap3A_670, %swap3A_671], %gather3A_656 {strides = array<i32>} : memref<8x4096xf32, #tpu.memory_space<vmem>>, vector<16xf32>,
        %swap3A_673 = arith.constant 3 : i32
        %swap3A_674 = arith.index_cast %swap3A_673 : i32 to index
        %swap3A_675 = arith.index_cast %mul3A_645 : i32 to index
        %swap3A_676 = tpu.vector_load %arg7[%swap3A_674, %swap3A_675] {strides = array<i32>} : memref<8x4096xf32, #tpu.memory_space<vmem>>, vector<16xf32>,
        tpu.vector_store %arg7[%swap3A_674, %swap3A_675], %gather3A_657 {strides = array<i32>} : memref<8x4096xf32, #tpu.memory_space<vmem>>, vector<16xf32>,
        %swap3A_677 = arith.constant 4 : i32
        %swap3A_678 = arith.index_cast %swap3A_677 : i32 to index
        %swap3A_679 = arith.index_cast %mul3A_645 : i32 to index
        %swap3A_680 = tpu.vector_load %arg7[%swap3A_678, %swap3A_679] {strides = array<i32>} : memref<8x4096xf32, #tpu.memory_space<vmem>>, vector<16xf32>,
        tpu.vector_store %arg7[%swap3A_678, %swap3A_679], %gather3A_658 {strides = array<i32>} : memref<8x4096xf32, #tpu.memory_space<vmem>>, vector<16xf32>,
        %swap3A_681 = arith.constant 5 : i32
        %swap3A_682 = arith.index_cast %swap3A_681 : i32 to index
        %swap3A_683 = arith.index_cast %mul3A_645 : i32 to index
        %swap3A_684 = tpu.vector_load %arg7[%swap3A_682, %swap3A_683] {strides = array<i32>} : memref<8x4096xf32, #tpu.memory_space<vmem>>, vector<16xf32>,
        tpu.vector_store %arg7[%swap3A_682, %swap3A_683], %gather3A_659 {strides = array<i32>} : memref<8x4096xf32, #tpu.memory_space<vmem>>, vector<16xf32>,
        %swap3A_685 = arith.constant 6 : i32
        %swap3A_686 = arith.index_cast %swap3A_685 : i32 to index
        %swap3A_687 = arith.index_cast %mul3A_645 : i32 to index
        %swap3A_688 = tpu.vector_load %arg7[%swap3A_686, %swap3A_687] {strides = array<i32>} : memref<8x4096xf32, #tpu.memory_space<vmem>>, vector<16xf32>,
        tpu.vector_store %arg7[%swap3A_686, %swap3A_687], %gather3A_660 {strides = array<i32>} : memref<8x4096xf32, #tpu.memory_space<vmem>>, vector<16xf32>,
        %swap3A_689 = arith.constant 7 : i32
        %swap3A_690 = arith.index_cast %swap3A_689 : i32 to index
        %swap3A_691 = arith.index_cast %mul3A_645 : i32 to index
        %swap3A_692 = tpu.vector_load %arg7[%swap3A_690, %swap3A_691] {strides = array<i32>} : memref<8x4096xf32, #tpu.memory_space<vmem>>, vector<16xf32>,
        tpu.vector_store %arg7[%swap3A_690, %swap3A_691], %gather3A_661 {strides = array<i32>} : memref<8x4096xf32, #tpu.memory_space<vmem>>, vector<16xf32>,
        %mul3A_693 = arith.constant 2 : i32
        %mul3A_694 = arith.muli %scan3A_638, %mul3A_693 : i32
        %add3A_695 = arith.constant 1 : i32
        %add3A_696 = arith.addi %mul3A_694, %add3A_695 : i32
        %mul3A_697 = arith.constant 16 : i32
        %mul3A_698 = arith.muli %add3A_696, %mul3A_697 : i32
        %get3A_699 = arith.index_cast %mul3A_698 : i32 to index
        %get3A_700 = tpu.vector_load %arg6[%get3A_699] {strides = array<i32>} : memref<4096xi32, #tpu.memory_space<vmem>>, vector<16xi32>,
        %add3A_701 = arith.addi %get3A_700, %broadcast_in_dim3A_459 : vector<16xi32>
        %add3A_702 = arith.addi %get3A_700, %broadcast_in_dim3A_464 : vector<16xi32>
        %add3A_703 = arith.addi %get3A_700, %broadcast_in_dim3A_469 : vector<16xi32>
        %add3A_704 = arith.addi %get3A_700, %broadcast_in_dim3A_474 : vector<16xi32>
        %add3A_705 = arith.addi %get3A_700, %broadcast_in_dim3A_479 : vector<16xi32>
        %add3A_706 = arith.addi %get3A_700, %broadcast_in_dim3A_484 : vector<16xi32>
        %add3A_707 = arith.addi %get3A_700, %broadcast_in_dim3A_489 : vector<16xi32>
        %add3A_708 = arith.addi %get3A_700, %broadcast_in_dim3A_494 : vector<16xi32>
        %gather3A_709 = tpu.vector_load_idx %arg5[%add3A_701] : memref<32000xf32, #tpu.memory_space<vmem>>[vector<16xi32>], vector<16xf32>,
        %gather3A_710 = tpu.vector_load_idx %arg5[%add3A_702] : memref<32000xf32, #tpu.memory_space<vmem>>[vector<16xi32>], vector<16xf32>,
        %gather3A_711 = tpu.vector_load_idx %arg5[%add3A_703] : memref<32000xf32, #tpu.memory_space<vmem>>[vector<16xi32>], vector<16xf32>,
        %gather3A_712 = tpu.vector_load_idx %arg5[%add3A_704] : memref<32000xf32, #tpu.memory_space<vmem>>[vector<16xi32>], vector<16xf32>,
        %gather3A_713 = tpu.vector_load_idx %arg5[%add3A_705] : memref<32000xf32, #tpu.memory_space<vmem>>[vector<16xi32>], vector<16xf32>,
        %gather3A_714 = tpu.vector_load_idx %arg5[%add3A_706] : memref<32000xf32, #tpu.memory_space<vmem>>[vector<16xi32>], vector<16xf32>,
        %gather3A_715 = tpu.vector_load_idx %arg5[%add3A_707] : memref<32000xf32, #tpu.memory_space<vmem>>[vector<16xi32>], vector<16xf32>,
        %gather3A_716 = tpu.vector_load_idx %arg5[%add3A_708] : memref<32000xf32, #tpu.memory_space<vmem>>[vector<16xi32>], vector<16xf32>,
        %swap3A_717 = arith.constant 0 : i32
        %swap3A_718 = arith.index_cast %swap3A_717 : i32 to index
        %swap3A_719 = arith.index_cast %mul3A_698 : i32 to index
        %swap3A_720 = tpu.vector_load %arg7[%swap3A_718, %swap3A_719] {strides = array<i32>} : memref<8x4096xf32, #tpu.memory_space<vmem>>, vector<16xf32>,
        tpu.vector_store %arg7[%swap3A_718, %swap3A_719], %gather3A_709 {strides = array<i32>} : memref<8x4096xf32, #tpu.memory_space<vmem>>, vector<16xf32>,
        %swap3A_721 = arith.constant 1 : i32
        %swap3A_722 = arith.index_cast %swap3A_721 : i32 to index
        %swap3A_723 = arith.index_cast %mul3A_698 : i32 to index
        %swap3A_724 = tpu.vector_load %arg7[%swap3A_722, %swap3A_723] {strides = array<i32>} : memref<8x4096xf32, #tpu.memory_space<vmem>>, vector<16xf32>,
        tpu.vector_store %arg7[%swap3A_722, %swap3A_723], %gather3A_710 {strides = array<i32>} : memref<8x4096xf32, #tpu.memory_space<vmem>>, vector<16xf32>,
        %swap3A_725 = arith.constant 2 : i32
        %swap3A_726 = arith.index_cast %swap3A_725 : i32 to index
        %swap3A_727 = arith.index_cast %mul3A_698 : i32 to index
        %swap3A_728 = tpu.vector_load %arg7[%swap3A_726, %swap3A_727] {strides = array<i32>} : memref<8x4096xf32, #tpu.memory_space<vmem>>, vector<16xf32>,
        tpu.vector_store %arg7[%swap3A_726, %swap3A_727], %gather3A_711 {strides = array<i32>} : memref<8x4096xf32, #tpu.memory_space<vmem>>, vector<16xf32>,
        %swap3A_729 = arith.constant 3 : i32
        %swap3A_730 = arith.index_cast %swap3A_729 : i32 to index
        %swap3A_731 = arith.index_cast %mul3A_698 : i32 to index
        %swap3A_732 = tpu.vector_load %arg7[%swap3A_730, %swap3A_731] {strides = array<i32>} : memref<8x4096xf32, #tpu.memory_space<vmem>>, vector<16xf32>,
        tpu.vector_store %arg7[%swap3A_730, %swap3A_731], %gather3A_712 {strides = array<i32>} : memref<8x4096xf32, #tpu.memory_space<vmem>>, vector<16xf32>,
        %swap3A_733 = arith.constant 4 : i32
        %swap3A_734 = arith.index_cast %swap3A_733 : i32 to index
        %swap3A_735 = arith.index_cast %mul3A_698 : i32 to index
        %swap3A_736 = tpu.vector_load %arg7[%swap3A_734, %swap3A_735] {strides = array<i32>} : memref<8x4096xf32, #tpu.memory_space<vmem>>, vector<16xf32>,
        tpu.vector_store %arg7[%swap3A_734, %swap3A_735], %gather3A_713 {strides = array<i32>} : memref<8x4096xf32, #tpu.memory_space<vmem>>, vector<16xf32>,
        %swap3A_737 = arith.constant 5 : i32
        %swap3A_738 = arith.index_cast %swap3A_737 : i32 to index
        %swap3A_739 = arith.index_cast %mul3A_698 : i32 to index
        %swap3A_740 = tpu.vector_load %arg7[%swap3A_738, %swap3A_739] {strides = array<i32>} : memref<8x4096xf32, #tpu.memory_space<vmem>>, vector<16xf32>,
        tpu.vector_store %arg7[%swap3A_738, %swap3A_739], %gather3A_714 {strides = array<i32>} : memref<8x4096xf32, #tpu.memory_space<vmem>>, vector<16xf32>,
        %swap3A_741 = arith.constant 6 : i32
        %swap3A_742 = arith.index_cast %swap3A_741 : i32 to index
        %swap3A_743 = arith.index_cast %mul3A_698 : i32 to index
        %swap3A_744 = tpu.vector_load %arg7[%swap3A_742, %swap3A_743] {strides = array<i32>} : memref<8x4096xf32, #tpu.memory_space<vmem>>, vector<16xf32>,
        tpu.vector_store %arg7[%swap3A_742, %swap3A_743], %gather3A_715 {strides = array<i32>} : memref<8x4096xf32, #tpu.memory_space<vmem>>, vector<16xf32>,
        %swap3A_745 = arith.constant 7 : i32
        %swap3A_746 = arith.index_cast %swap3A_745 : i32 to index
        %swap3A_747 = arith.index_cast %mul3A_698 : i32 to index
        %swap3A_748 = tpu.vector_load %arg7[%swap3A_746, %swap3A_747] {strides = array<i32>} : memref<8x4096xf32, #tpu.memory_space<vmem>>, vector<16xf32>,
        tpu.vector_store %arg7[%swap3A_746, %swap3A_747], %gather3A_716 {strides = array<i32>} : memref<8x4096xf32, #tpu.memory_space<vmem>>, vector<16xf32>,
        %scan3A_749 = arith.constant 0 : i32
        scf.yield %scan3A_749 : i32
      }
      %scan3A_501 = arith.constant 128 : i32
      %dma_start3A_502 = arith.constant 0 : i32
      %dma_start3A_503 = tpu.memref_slice %arg4[%select_n3A_407, %mul3A_425, %dma_start3A_502] : memref<200x32x4096xf32, #tpu.memory_space<hbm>> -> memref<1x8x4096xf32, #tpu.memory_space<hbm>>
      %dma_start3A_504 = tpu.memref_squeeze %dma_start3A_503 : memref<1x8x4096xf32, #tpu.memory_space<hbm>> -> memref<8x4096xf32, #tpu.memory_space<hbm>>
      %dma_start3A_505 = arith.constant 0 : i32
      %dma_start3A_506 = tpu.memref_slice %arg4[%select_n3A_407, %mul3A_425, %dma_start3A_505] : memref<200x32x4096xf32, #tpu.memory_space<hbm>> -> memref<1x8x4096xf32, #tpu.memory_space<hbm>>
      %dma_start3A_507 = tpu.memref_squeeze %dma_start3A_506 : memref<1x8x4096xf32, #tpu.memory_space<hbm>> -> memref<8x4096xf32, #tpu.memory_space<hbm>>
      tpu.enqueue_dma source(%arg7 : memref<8x4096xf32, #tpu.memory_space<vmem>>) target(%dma_start3A_507 : memref<8x4096xf32, #tpu.memory_space<hbm>>) target_semaphore(%arg9 : memref<!tpu.dma_semaphore, #tpu.memory_space<semaphore_mem>>)
      %mul3A_508 = arith.constant 2 : i32
      %mul3A_509 = arith.muli %mul3A_508, %scan3A_377 : i32
      %add3A_510 = arith.addi %mul3A_2, %mul3A_509 : i32
      %add3A_511 = arith.constant 1 : i32
      %add3A_512 = arith.addi %add3A_510, %add3A_511 : i32
      %jit3A_513 = arith.constant 4 : i32
      %div3A_514 = arith.divsi %add3A_512, %jit3A_513 : i32
      %sign3A_515 = arith.constant 0 : i32
      %sign3A_516 = arith.cmpi sgt, %add3A_512, %sign3A_515 : i32
      %sign3A_517 = arith.extui %sign3A_516 : i1 to i32
      %sign3A_518 = arith.constant 0 : i32
      %sign3A_519 = arith.cmpi slt, %add3A_512, %sign3A_518 : i32
      %sign3A_520 = arith.extui %sign3A_519 : i1 to i32
      %sign3A_521 = arith.subi %sign3A_517, %sign3A_520 : i32
      %sign3A_522 = arith.constant 0 : i32
      %sign3A_523 = arith.cmpi sgt, %jit3A_513, %sign3A_522 : i32
      %sign3A_524 = arith.extui %sign3A_523 : i1 to i32
      %sign3A_525 = arith.constant 0 : i32
      %sign3A_526 = arith.cmpi slt, %jit3A_513, %sign3A_525 : i32
      %sign3A_527 = arith.extui %sign3A_526 : i1 to i32
      %sign3A_528 = arith.subi %sign3A_524, %sign3A_527 : i32
      %ne3A_529 = arith.cmpi ne, %sign3A_521, %sign3A_528 : i32
      %rem3A_530 = arith.remsi %add3A_512, %jit3A_513 : i32
      %ne3A_531 = arith.constant 0 : i32
      %ne3A_532 = arith.cmpi ne, %rem3A_530, %ne3A_531 : i32
      %and3A_533 = arith.andi %ne3A_529, %ne3A_532 : i1
      %sub3A_534 = arith.constant 1 : i32
      %sub3A_535 = arith.subi %div3A_514, %sub3A_534 : i32
      %select_n3A_536 = arith.select %and3A_533, %sub3A_535, %div3A_514 : i32
      %jit3A_537 = arith.constant 4 : i32
      %eq3A_538 = arith.constant 0 : i32
      %eq3A_539 = arith.cmpi eq, %jit3A_537, %eq3A_538 : i32
      %jit3A_540 = arith.constant 1 : i32
      %select_n3A_541 = arith.select %eq3A_539, %jit3A_540, %jit3A_537 : i32
      %rem3A_542 = arith.remsi %add3A_512, %select_n3A_541 : i32
      %ne3A_543 = arith.constant 0 : i32
      %ne3A_544 = arith.cmpi ne, %rem3A_542, %ne3A_543 : i32
      %lt3A_545 = arith.constant 0 : i32
      %lt3A_546 = arith.cmpi slt, %rem3A_542, %lt3A_545 : i32
      %lt3A_547 = arith.constant 0 : i32
      %lt3A_548 = arith.cmpi slt, %select_n3A_541, %lt3A_547 : i32
      %ne3A_549 = arith.xori %lt3A_546, %lt3A_548 : i1
      %and3A_550 = arith.andi %ne3A_549, %ne3A_544 : i1
      %add3A_551 = arith.addi %rem3A_542, %select_n3A_541 : i32
      %select_n3A_552 = arith.select %and3A_550, %add3A_551, %rem3A_542 : i32
      %mul3A_553 = arith.constant 8 : i32
      %mul3A_554 = arith.muli %select_n3A_552, %mul3A_553 : i32
      %jit3A_555 = arith.constant 4 : i32
      %eq3A_556 = arith.constant 0 : i32
      %eq3A_557 = arith.cmpi eq, %jit3A_555, %eq3A_556 : i32
      %jit3A_558 = arith.constant 1 : i32
      %select_n3A_559 = arith.select %eq3A_557, %jit3A_558, %jit3A_555 : i32
      %rem3A_560 = arith.remsi %add3A_512, %select_n3A_559 : i32
      %ne3A_561 = arith.constant 0 : i32
      %ne3A_562 = arith.cmpi ne, %rem3A_560, %ne3A_561 : i32
      %lt3A_563 = arith.constant 0 : i32
      %lt3A_564 = arith.cmpi slt, %rem3A_560, %lt3A_563 : i32
      %lt3A_565 = arith.constant 0 : i32
      %lt3A_566 = arith.cmpi slt, %select_n3A_559, %lt3A_565 : i32
      %ne3A_567 = arith.xori %lt3A_564, %lt3A_566 : i1
      %and3A_568 = arith.andi %ne3A_567, %ne3A_562 : i1
      %add3A_569 = arith.addi %rem3A_560, %select_n3A_559 : i32
      %select_n3A_570 = arith.select %and3A_568, %add3A_569, %rem3A_560 : i32
      %eq3A_571 = arith.constant 0 : i32
      %eq3A_572 = arith.cmpi eq, %select_n3A_570, %eq3A_571 : i32
      %eq3A_573 = arith.cmpi eq, %add3A_512, %mul3A_2 : i32
      %or3A_574 = arith.ori %eq3A_572, %eq3A_573 : i1
      %convert_element_type3A_575 = arith.extui %or3A_574 : i1 to i32
      %cond3A_576 = arith.constant 0 : i32
      %cond3A_577 = arith.cmpi ne, %convert_element_type3A_575, %cond3A_576 : i32
      scf.if %cond3A_577 {
        %mul3A_638 = arith.constant 4096 : i32
        %mul3A_639 = arith.muli %select_n3A_536, %mul3A_638 : i32
        "tpu.region"() ({
          %run_scoped3A = tpu.sem_alloc : memref<!tpu.dma_semaphore, #tpu.memory_space<semaphore_mem>>
          %dma_start3A_640 = tpu.memref_slice %arg3[%mul3A_639] : memref<819200xi32, #tpu.memory_space<hbm>> -> memref<4096xi32, #tpu.memory_space<hbm>>
          %dma_start3A_641 = tpu.memref_slice %arg3[%mul3A_639] : memref<819200xi32, #tpu.memory_space<hbm>> -> memref<4096xi32, #tpu.memory_space<hbm>>
          tpu.enqueue_dma source(%dma_start3A_641 : memref<4096xi32, #tpu.memory_space<hbm>>) target(%arg6 : memref<4096xi32, #tpu.memory_space<vmem>>) target_semaphore(%run_scoped3A : memref<!tpu.dma_semaphore, #tpu.memory_space<semaphore_mem>>)
          %dma_wait3A_642 = tpu.memref_slice %arg3[%mul3A_639] : memref<819200xi32, #tpu.memory_space<hbm>> -> memref<4096xi32, #tpu.memory_space<hbm>>
          %dma_wait3A_643 = tpu.memref_slice %arg3[%mul3A_639] : memref<819200xi32, #tpu.memory_space<hbm>> -> memref<4096xi32, #tpu.memory_space<hbm>>
          tpu.wait_dma2 semaphore(%run_scoped3A : memref<!tpu.dma_semaphore, #tpu.memory_space<semaphore_mem>>) src(%dma_wait3A_643 : memref<4096xi32, #tpu.memory_space<hbm>>) dst(%arg6 : memref<4096xi32, #tpu.memory_space<vmem>>)
          tpu.yield
        }) : () -> ()
      } else {
      }
      %dma_wait3A_578 = arith.constant 0 : i32
      %dma_wait3A_579 = tpu.memref_slice %arg4[%select_n3A_536, %mul3A_554, %dma_wait3A_578] : memref<200x32x4096xf32, #tpu.memory_space<hbm>> -> memref<1x8x4096xf32, #tpu.memory_space<hbm>>
      %dma_wait3A_580 = tpu.memref_squeeze %dma_wait3A_579 : memref<1x8x4096xf32, #tpu.memory_space<hbm>> -> memref<8x4096xf32, #tpu.memory_space<hbm>>
      %dma_wait3A_581 = arith.constant 0 : i32
      %dma_wait3A_582 = tpu.memref_slice %arg4[%select_n3A_536, %mul3A_554, %dma_wait3A_581] : memref<200x32x4096xf32, #tpu.memory_space<hbm>> -> memref<1x8x4096xf32, #tpu.memory_space<hbm>>
      %dma_wait3A_583 = tpu.memref_squeeze %dma_wait3A_582 : memref<1x8x4096xf32, #tpu.memory_space<hbm>> -> memref<8x4096xf32, #tpu.memory_space<hbm>>
      tpu.wait_dma2 semaphore(%arg9 : memref<!tpu.dma_semaphore, #tpu.memory_space<semaphore_mem>>) src(%arg8 : memref<8x4096xf32, #tpu.memory_space<vmem>>) dst(%dma_wait3A_583 : memref<8x4096xf32, #tpu.memory_space<hbm>>)
      %add3A_584 = arith.constant 0 : i32
      %add3A_585 = arith.addi %mul3A_554, %add3A_584 : i32
      %mul3A_586 = arith.constant 1000 : i32
      %mul3A_587 = arith.muli %add3A_585, %mul3A_586 : i32
      %broadcast_in_dim3A_588 = vector.broadcast %mul3A_587 : i32 to vector<16xi32>
      %add3A_589 = arith.constant 1 : i32
      %add3A_590 = arith.addi %mul3A_554, %add3A_589 : i32
      %mul3A_591 = arith.constant 1000 : i32
      %mul3A_592 = arith.muli %add3A_590, %mul3A_591 : i32
      %broadcast_in_dim3A_593 = vector.broadcast %mul3A_592 : i32 to vector<16xi32>
      %add3A_594 = arith.constant 2 : i32
      %add3A_595 = arith.addi %mul3A_554, %add3A_594 : i32
      %mul3A_596 = arith.constant 1000 : i32
      %mul3A_597 = arith.muli %add3A_595, %mul3A_596 : i32
      %broadcast_in_dim3A_598 = vector.broadcast %mul3A_597 : i32 to vector<16xi32>
      %add3A_599 = arith.constant 3 : i32
      %add3A_600 = arith.addi %mul3A_554, %add3A_599 : i32
      %mul3A_601 = arith.constant 1000 : i32
      %mul3A_602 = arith.muli %add3A_600, %mul3A_601 : i32
      %broadcast_in_dim3A_603 = vector.broadcast %mul3A_602 : i32 to vector<16xi32>
      %add3A_604 = arith.constant 4 : i32
      %add3A_605 = arith.addi %mul3A_554, %add3A_604 : i32
      %mul3A_606 = arith.constant 1000 : i32
      %mul3A_607 = arith.muli %add3A_605, %mul3A_606 : i32
      %broadcast_in_dim3A_608 = vector.broadcast %mul3A_607 : i32 to vector<16xi32>
      %add3A_609 = arith.constant 5 : i32
      %add3A_610 = arith.addi %mul3A_554, %add3A_609 : i32
      %mul3A_611 = arith.constant 1000 : i32
      %mul3A_612 = arith.muli %add3A_610, %mul3A_611 : i32
      %broadcast_in_dim3A_613 = vector.broadcast %mul3A_612 : i32 to vector<16xi32>
      %add3A_614 = arith.constant 6 : i32
      %add3A_615 = arith.addi %mul3A_554, %add3A_614 : i32
      %mul3A_616 = arith.constant 1000 : i32
      %mul3A_617 = arith.muli %add3A_615, %mul3A_616 : i32
      %broadcast_in_dim3A_618 = vector.broadcast %mul3A_617 : i32 to vector<16xi32>
      %add3A_619 = arith.constant 7 : i32
      %add3A_620 = arith.addi %mul3A_554, %add3A_619 : i32
      %mul3A_621 = arith.constant 1000 : i32
      %mul3A_622 = arith.muli %add3A_620, %mul3A_621 : i32
      %broadcast_in_dim3A_623 = vector.broadcast %mul3A_622 : i32 to vector<16xi32>
      %scan3A_624 = arith.constant 0 : i32
      %scan3A_625 = arith.constant 0 : i32
      %scan3A_626 = arith.constant 128 : i32
      %scan3A_627 = arith.addi %scan3A_625, %scan3A_626 : i32
      %scan3A_628 = arith.constant 1 : i32
      %scan3A_629 = scf.for %scan3A_638 = %scan3A_625 to %scan3A_627 step %scan3A_628 iter_args(%scan3A_639 = %scan3A_624) -> (i32)  : i32 {
        %mul3A_640 = arith.constant 2 : i32
        %mul3A_641 = arith.muli %scan3A_638, %mul3A_640 : i32
        %add3A_642 = arith.constant 0 : i32
        %add3A_643 = arith.addi %mul3A_641, %add3A_642 : i32
        %mul3A_644 = arith.constant 16 : i32
        %mul3A_645 = arith.muli %add3A_643, %mul3A_644 : i32
        %get3A = arith.index_cast %mul3A_645 : i32 to index
        %get3A_646 = tpu.vector_load %arg6[%get3A] {strides = array<i32>} : memref<4096xi32, #tpu.memory_space<vmem>>, vector<16xi32>,
        %add3A_647 = arith.addi %get3A_646, %broadcast_in_dim3A_588 : vector<16xi32>
        %add3A_648 = arith.addi %get3A_646, %broadcast_in_dim3A_593 : vector<16xi32>
        %add3A_649 = arith.addi %get3A_646, %broadcast_in_dim3A_598 : vector<16xi32>
        %add3A_650 = arith.addi %get3A_646, %broadcast_in_dim3A_603 : vector<16xi32>
        %add3A_651 = arith.addi %get3A_646, %broadcast_in_dim3A_608 : vector<16xi32>
        %add3A_652 = arith.addi %get3A_646, %broadcast_in_dim3A_613 : vector<16xi32>
        %add3A_653 = arith.addi %get3A_646, %broadcast_in_dim3A_618 : vector<16xi32>
        %add3A_654 = arith.addi %get3A_646, %broadcast_in_dim3A_623 : vector<16xi32>
        %gather3A = tpu.vector_load_idx %arg5[%add3A_647] : memref<32000xf32, #tpu.memory_space<vmem>>[vector<16xi32>], vector<16xf32>,
        %gather3A_655 = tpu.vector_load_idx %arg5[%add3A_648] : memref<32000xf32, #tpu.memory_space<vmem>>[vector<16xi32>], vector<16xf32>,
        %gather3A_656 = tpu.vector_load_idx %arg5[%add3A_649] : memref<32000xf32, #tpu.memory_space<vmem>>[vector<16xi32>], vector<16xf32>,
        %gather3A_657 = tpu.vector_load_idx %arg5[%add3A_650] : memref<32000xf32, #tpu.memory_space<vmem>>[vector<16xi32>], vector<16xf32>,
        %gather3A_658 = tpu.vector_load_idx %arg5[%add3A_651] : memref<32000xf32, #tpu.memory_space<vmem>>[vector<16xi32>], vector<16xf32>,
        %gather3A_659 = tpu.vector_load_idx %arg5[%add3A_652] : memref<32000xf32, #tpu.memory_space<vmem>>[vector<16xi32>], vector<16xf32>,
        %gather3A_660 = tpu.vector_load_idx %arg5[%add3A_653] : memref<32000xf32, #tpu.memory_space<vmem>>[vector<16xi32>], vector<16xf32>,
        %gather3A_661 = tpu.vector_load_idx %arg5[%add3A_654] : memref<32000xf32, #tpu.memory_space<vmem>>[vector<16xi32>], vector<16xf32>,
        %swap3A = arith.constant 0 : i32
        %swap3A_662 = arith.index_cast %swap3A : i32 to index
        %swap3A_663 = arith.index_cast %mul3A_645 : i32 to index
        %swap3A_664 = tpu.vector_load %arg8[%swap3A_662, %swap3A_663] {strides = array<i32>} : memref<8x4096xf32, #tpu.memory_space<vmem>>, vector<16xf32>,
        tpu.vector_store %arg8[%swap3A_662, %swap3A_663], %gather3A {strides = array<i32>} : memref<8x4096xf32, #tpu.memory_space<vmem>>, vector<16xf32>,
        %swap3A_665 = arith.constant 1 : i32
        %swap3A_666 = arith.index_cast %swap3A_665 : i32 to index
        %swap3A_667 = arith.index_cast %mul3A_645 : i32 to index
        %swap3A_668 = tpu.vector_load %arg8[%swap3A_666, %swap3A_667] {strides = array<i32>} : memref<8x4096xf32, #tpu.memory_space<vmem>>, vector<16xf32>,
        tpu.vector_store %arg8[%swap3A_666, %swap3A_667], %gather3A_655 {strides = array<i32>} : memref<8x4096xf32, #tpu.memory_space<vmem>>, vector<16xf32>,
        %swap3A_669 = arith.constant 2 : i32
        %swap3A_670 = arith.index_cast %swap3A_669 : i32 to index
        %swap3A_671 = arith.index_cast %mul3A_645 : i32 to index
        %swap3A_672 = tpu.vector_load %arg8[%swap3A_670, %swap3A_671] {strides = array<i32>} : memref<8x4096xf32, #tpu.memory_space<vmem>>, vector<16xf32>,
        tpu.vector_store %arg8[%swap3A_670, %swap3A_671], %gather3A_656 {strides = array<i32>} : memref<8x4096xf32, #tpu.memory_space<vmem>>, vector<16xf32>,
        %swap3A_673 = arith.constant 3 : i32
        %swap3A_674 = arith.index_cast %swap3A_673 : i32 to index
        %swap3A_675 = arith.index_cast %mul3A_645 : i32 to index
        %swap3A_676 = tpu.vector_load %arg8[%swap3A_674, %swap3A_675] {strides = array<i32>} : memref<8x4096xf32, #tpu.memory_space<vmem>>, vector<16xf32>,
        tpu.vector_store %arg8[%swap3A_674, %swap3A_675], %gather3A_657 {strides = array<i32>} : memref<8x4096xf32, #tpu.memory_space<vmem>>, vector<16xf32>,
        %swap3A_677 = arith.constant 4 : i32
        %swap3A_678 = arith.index_cast %swap3A_677 : i32 to index
        %swap3A_679 = arith.index_cast %mul3A_645 : i32 to index
        %swap3A_680 = tpu.vector_load %arg8[%swap3A_678, %swap3A_679] {strides = array<i32>} : memref<8x4096xf32, #tpu.memory_space<vmem>>, vector<16xf32>,
        tpu.vector_store %arg8[%swap3A_678, %swap3A_679], %gather3A_658 {strides = array<i32>} : memref<8x4096xf32, #tpu.memory_space<vmem>>, vector<16xf32>,
        %swap3A_681 = arith.constant 5 : i32
        %swap3A_682 = arith.index_cast %swap3A_681 : i32 to index
        %swap3A_683 = arith.index_cast %mul3A_645 : i32 to index
        %swap3A_684 = tpu.vector_load %arg8[%swap3A_682, %swap3A_683] {strides = array<i32>} : memref<8x4096xf32, #tpu.memory_space<vmem>>, vector<16xf32>,
        tpu.vector_store %arg8[%swap3A_682, %swap3A_683], %gather3A_659 {strides = array<i32>} : memref<8x4096xf32, #tpu.memory_space<vmem>>, vector<16xf32>,
        %swap3A_685 = arith.constant 6 : i32
        %swap3A_686 = arith.index_cast %swap3A_685 : i32 to index
        %swap3A_687 = arith.index_cast %mul3A_645 : i32 to index
        %swap3A_688 = tpu.vector_load %arg8[%swap3A_686, %swap3A_687] {strides = array<i32>} : memref<8x4096xf32, #tpu.memory_space<vmem>>, vector<16xf32>,
        tpu.vector_store %arg8[%swap3A_686, %swap3A_687], %gather3A_660 {strides = array<i32>} : memref<8x4096xf32, #tpu.memory_space<vmem>>, vector<16xf32>,
        %swap3A_689 = arith.constant 7 : i32
        %swap3A_690 = arith.index_cast %swap3A_689 : i32 to index
        %swap3A_691 = arith.index_cast %mul3A_645 : i32 to index
        %swap3A_692 = tpu.vector_load %arg8[%swap3A_690, %swap3A_691] {strides = array<i32>} : memref<8x4096xf32, #tpu.memory_space<vmem>>, vector<16xf32>,
        tpu.vector_store %arg8[%swap3A_690, %swap3A_691], %gather3A_661 {strides = array<i32>} : memref<8x4096xf32, #tpu.memory_space<vmem>>, vector<16xf32>,
        %mul3A_693 = arith.constant 2 : i32
        %mul3A_694 = arith.muli %scan3A_638, %mul3A_693 : i32
        %add3A_695 = arith.constant 1 : i32
        %add3A_696 = arith.addi %mul3A_694, %add3A_695 : i32
        %mul3A_697 = arith.constant 16 : i32
        %mul3A_698 = arith.muli %add3A_696, %mul3A_697 : i32
        %get3A_699 = arith.index_cast %mul3A_698 : i32 to index
        %get3A_700 = tpu.vector_load %arg6[%get3A_699] {strides = array<i32>} : memref<4096xi32, #tpu.memory_space<vmem>>, vector<16xi32>,
        %add3A_701 = arith.addi %get3A_700, %broadcast_in_dim3A_588 : vector<16xi32>
        %add3A_702 = arith.addi %get3A_700, %broadcast_in_dim3A_593 : vector<16xi32>
        %add3A_703 = arith.addi %get3A_700, %broadcast_in_dim3A_598 : vector<16xi32>
        %add3A_704 = arith.addi %get3A_700, %broadcast_in_dim3A_603 : vector<16xi32>
        %add3A_705 = arith.addi %get3A_700, %broadcast_in_dim3A_608 : vector<16xi32>
        %add3A_706 = arith.addi %get3A_700, %broadcast_in_dim3A_613 : vector<16xi32>
        %add3A_707 = arith.addi %get3A_700, %broadcast_in_dim3A_618 : vector<16xi32>
        %add3A_708 = arith.addi %get3A_700, %broadcast_in_dim3A_623 : vector<16xi32>
        %gather3A_709 = tpu.vector_load_idx %arg5[%add3A_701] : memref<32000xf32, #tpu.memory_space<vmem>>[vector<16xi32>], vector<16xf32>,
        %gather3A_710 = tpu.vector_load_idx %arg5[%add3A_702] : memref<32000xf32, #tpu.memory_space<vmem>>[vector<16xi32>], vector<16xf32>,
        %gather3A_711 = tpu.vector_load_idx %arg5[%add3A_703] : memref<32000xf32, #tpu.memory_space<vmem>>[vector<16xi32>], vector<16xf32>,
        %gather3A_712 = tpu.vector_load_idx %arg5[%add3A_704] : memref<32000xf32, #tpu.memory_space<vmem>>[vector<16xi32>], vector<16xf32>,
        %gather3A_713 = tpu.vector_load_idx %arg5[%add3A_705] : memref<32000xf32, #tpu.memory_space<vmem>>[vector<16xi32>], vector<16xf32>,
        %gather3A_714 = tpu.vector_load_idx %arg5[%add3A_706] : memref<32000xf32, #tpu.memory_space<vmem>>[vector<16xi32>], vector<16xf32>,
        %gather3A_715 = tpu.vector_load_idx %arg5[%add3A_707] : memref<32000xf32, #tpu.memory_space<vmem>>[vector<16xi32>], vector<16xf32>,
        %gather3A_716 = tpu.vector_load_idx %arg5[%add3A_708] : memref<32000xf32, #tpu.memory_space<vmem>>[vector<16xi32>], vector<16xf32>,
        %swap3A_717 = arith.constant 0 : i32
        %swap3A_718 = arith.index_cast %swap3A_717 : i32 to index
        %swap3A_719 = arith.index_cast %mul3A_698 : i32 to index
        %swap3A_720 = tpu.vector_load %arg8[%swap3A_718, %swap3A_719] {strides = array<i32>} : memref<8x4096xf32, #tpu.memory_space<vmem>>, vector<16xf32>,
        tpu.vector_store %arg8[%swap3A_718, %swap3A_719], %gather3A_709 {strides = array<i32>} : memref<8x4096xf32, #tpu.memory_space<vmem>>, vector<16xf32>,
        %swap3A_721 = arith.constant 1 : i32
        %swap3A_722 = arith.index_cast %swap3A_721 : i32 to index
        %swap3A_723 = arith.index_cast %mul3A_698 : i32 to index
        %swap3A_724 = tpu.vector_load %arg8[%swap3A_722, %swap3A_723] {strides = array<i32>} : memref<8x4096xf32, #tpu.memory_space<vmem>>, vector<16xf32>,
        tpu.vector_store %arg8[%swap3A_722, %swap3A_723], %gather3A_710 {strides = array<i32>} : memref<8x4096xf32, #tpu.memory_space<vmem>>, vector<16xf32>,
        %swap3A_725 = arith.constant 2 : i32
        %swap3A_726 = arith.index_cast %swap3A_725 : i32 to index
        %swap3A_727 = arith.index_cast %mul3A_698 : i32 to index
        %swap3A_728 = tpu.vector_load %arg8[%swap3A_726, %swap3A_727] {strides = array<i32>} : memref<8x4096xf32, #tpu.memory_space<vmem>>, vector<16xf32>,
        tpu.vector_store %arg8[%swap3A_726, %swap3A_727], %gather3A_711 {strides = array<i32>} : memref<8x4096xf32, #tpu.memory_space<vmem>>, vector<16xf32>,
        %swap3A_729 = arith.constant 3 : i32
        %swap3A_730 = arith.index_cast %swap3A_729 : i32 to index
        %swap3A_731 = arith.index_cast %mul3A_698 : i32 to index
        %swap3A_732 = tpu.vector_load %arg8[%swap3A_730, %swap3A_731] {strides = array<i32>} : memref<8x4096xf32, #tpu.memory_space<vmem>>, vector<16xf32>,
        tpu.vector_store %arg8[%swap3A_730, %swap3A_731], %gather3A_712 {strides = array<i32>} : memref<8x4096xf32, #tpu.memory_space<vmem>>, vector<16xf32>,
        %swap3A_733 = arith.constant 4 : i32
        %swap3A_734 = arith.index_cast %swap3A_733 : i32 to index
        %swap3A_735 = arith.index_cast %mul3A_698 : i32 to index
        %swap3A_736 = tpu.vector_load %arg8[%swap3A_734, %swap3A_735] {strides = array<i32>} : memref<8x4096xf32, #tpu.memory_space<vmem>>, vector<16xf32>,
        tpu.vector_store %arg8[%swap3A_734, %swap3A_735], %gather3A_713 {strides = array<i32>} : memref<8x4096xf32, #tpu.memory_space<vmem>>, vector<16xf32>,
        %swap3A_737 = arith.constant 5 : i32
        %swap3A_738 = arith.index_cast %swap3A_737 : i32 to index
        %swap3A_739 = arith.index_cast %mul3A_698 : i32 to index
        %swap3A_740 = tpu.vector_load %arg8[%swap3A_738, %swap3A_739] {strides = array<i32>} : memref<8x4096xf32, #tpu.memory_space<vmem>>, vector<16xf32>,
        tpu.vector_store %arg8[%swap3A_738, %swap3A_739], %gather3A_714 {strides = array<i32>} : memref<8x4096xf32, #tpu.memory_space<vmem>>, vector<16xf32>,
        %swap3A_741 = arith.constant 6 : i32
        %swap3A_742 = arith.index_cast %swap3A_741 : i32 to index
        %swap3A_743 = arith.index_cast %mul3A_698 : i32 to index
        %swap3A_744 = tpu.vector_load %arg8[%swap3A_742, %swap3A_743] {strides = array<i32>} : memref<8x4096xf32, #tpu.memory_space<vmem>>, vector<16xf32>,
        tpu.vector_store %arg8[%swap3A_742, %swap3A_743], %gather3A_715 {strides = array<i32>} : memref<8x4096xf32, #tpu.memory_space<vmem>>, vector<16xf32>,
        %swap3A_745 = arith.constant 7 : i32
        %swap3A_746 = arith.index_cast %swap3A_745 : i32 to index
        %swap3A_747 = arith.index_cast %mul3A_698 : i32 to index
        %swap3A_748 = tpu.vector_load %arg8[%swap3A_746, %swap3A_747] {strides = array<i32>} : memref<8x4096xf32, #tpu.memory_space<vmem>>, vector<16xf32>,
        tpu.vector_store %arg8[%swap3A_746, %swap3A_747], %gather3A_716 {strides = array<i32>} : memref<8x4096xf32, #tpu.memory_space<vmem>>, vector<16xf32>,
        %scan3A_749 = arith.constant 0 : i32
        scf.yield %scan3A_749 : i32
      }
      %scan3A_630 = arith.constant 128 : i32
      %dma_start3A_631 = arith.constant 0 : i32
      %dma_start3A_632 = tpu.memref_slice %arg4[%select_n3A_536, %mul3A_554, %dma_start3A_631] : memref<200x32x4096xf32, #tpu.memory_space<hbm>> -> memref<1x8x4096xf32, #tpu.memory_space<hbm>>
      %dma_start3A_633 = tpu.memref_squeeze %dma_start3A_632 : memref<1x8x4096xf32, #tpu.memory_space<hbm>> -> memref<8x4096xf32, #tpu.memory_space<hbm>>
      %dma_start3A_634 = arith.constant 0 : i32
      %dma_start3A_635 = tpu.memref_slice %arg4[%select_n3A_536, %mul3A_554, %dma_start3A_634] : memref<200x32x4096xf32, #tpu.memory_space<hbm>> -> memref<1x8x4096xf32, #tpu.memory_space<hbm>>
      %dma_start3A_636 = tpu.memref_squeeze %dma_start3A_635 : memref<1x8x4096xf32, #tpu.memory_space<hbm>> -> memref<8x4096xf32, #tpu.memory_space<hbm>>
      tpu.enqueue_dma source(%arg8 : memref<8x4096xf32, #tpu.memory_space<vmem>>) target(%dma_start3A_636 : memref<8x4096xf32, #tpu.memory_space<hbm>>) target_semaphore(%arg9 : memref<!tpu.dma_semaphore, #tpu.memory_space<semaphore_mem>>)
      %scan3A_637 = arith.constant 0 : i32
      scf.yield %scan3A_637 : i32
    }
    %scan3A_231 = arith.constant 11 : i32
    %add3A_232 = arith.constant 25 : i32
    %add3A_233 = arith.addi %mul3A_2, %add3A_232 : i32
    %sub3A_234 = arith.constant 1 : i32
    %sub3A_235 = arith.subi %add3A_233, %sub3A_234 : i32
    %jit3A_236 = arith.constant 4 : i32
    %div3A_237 = arith.divsi %sub3A_235, %jit3A_236 : i32
    %sign3A_238 = arith.constant 0 : i32
    %sign3A_239 = arith.cmpi sgt, %sub3A_235, %sign3A_238 : i32
    %sign3A_240 = arith.extui %sign3A_239 : i1 to i32
    %sign3A_241 = arith.constant 0 : i32
    %sign3A_242 = arith.cmpi slt, %sub3A_235, %sign3A_241 : i32
    %sign3A_243 = arith.extui %sign3A_242 : i1 to i32
    %sign3A_244 = arith.subi %sign3A_240, %sign3A_243 : i32
    %sign3A_245 = arith.constant 0 : i32
    %sign3A_246 = arith.cmpi sgt, %jit3A_236, %sign3A_245 : i32
    %sign3A_247 = arith.extui %sign3A_246 : i1 to i32
    %sign3A_248 = arith.constant 0 : i32
    %sign3A_249 = arith.cmpi slt, %jit3A_236, %sign3A_248 : i32
    %sign3A_250 = arith.extui %sign3A_249 : i1 to i32
    %sign3A_251 = arith.subi %sign3A_247, %sign3A_250 : i32
    %ne3A_252 = arith.cmpi ne, %sign3A_244, %sign3A_251 : i32
    %rem3A_253 = arith.remsi %sub3A_235, %jit3A_236 : i32
    %ne3A_254 = arith.constant 0 : i32
    %ne3A_255 = arith.cmpi ne, %rem3A_253, %ne3A_254 : i32
    %and3A_256 = arith.andi %ne3A_252, %ne3A_255 : i1
    %sub3A_257 = arith.constant 1 : i32
    %sub3A_258 = arith.subi %div3A_237, %sub3A_257 : i32
    %select_n3A_259 = arith.select %and3A_256, %sub3A_258, %div3A_237 : i32
    %jit3A_260 = arith.constant 4 : i32
    %eq3A_261 = arith.constant 0 : i32
    %eq3A_262 = arith.cmpi eq, %jit3A_260, %eq3A_261 : i32
    %jit3A_263 = arith.constant 1 : i32
    %select_n3A_264 = arith.select %eq3A_262, %jit3A_263, %jit3A_260 : i32
    %rem3A_265 = arith.remsi %sub3A_235, %select_n3A_264 : i32
    %ne3A_266 = arith.constant 0 : i32
    %ne3A_267 = arith.cmpi ne, %rem3A_265, %ne3A_266 : i32
    %lt3A_268 = arith.constant 0 : i32
    %lt3A_269 = arith.cmpi slt, %rem3A_265, %lt3A_268 : i32
    %lt3A_270 = arith.constant 0 : i32
    %lt3A_271 = arith.cmpi slt, %select_n3A_264, %lt3A_270 : i32
    %ne3A_272 = arith.xori %lt3A_269, %lt3A_271 : i1
    %and3A_273 = arith.andi %ne3A_272, %ne3A_267 : i1
    %add3A_274 = arith.addi %rem3A_265, %select_n3A_264 : i32
    %select_n3A_275 = arith.select %and3A_273, %add3A_274, %rem3A_265 : i32
    %mul3A_276 = arith.constant 8 : i32
    %mul3A_277 = arith.muli %select_n3A_275, %mul3A_276 : i32
    %jit3A_278 = arith.constant 4 : i32
    %eq3A_279 = arith.constant 0 : i32
    %eq3A_280 = arith.cmpi eq, %jit3A_278, %eq3A_279 : i32
    %jit3A_281 = arith.constant 1 : i32
    %select_n3A_282 = arith.select %eq3A_280, %jit3A_281, %jit3A_278 : i32
    %rem3A_283 = arith.remsi %sub3A_235, %select_n3A_282 : i32
    %ne3A_284 = arith.constant 0 : i32
    %ne3A_285 = arith.cmpi ne, %rem3A_283, %ne3A_284 : i32
    %lt3A_286 = arith.constant 0 : i32
    %lt3A_287 = arith.cmpi slt, %rem3A_283, %lt3A_286 : i32
    %lt3A_288 = arith.constant 0 : i32
    %lt3A_289 = arith.cmpi slt, %select_n3A_282, %lt3A_288 : i32
    %ne3A_290 = arith.xori %lt3A_287, %lt3A_289 : i1
    %and3A_291 = arith.andi %ne3A_290, %ne3A_285 : i1
    %add3A_292 = arith.addi %rem3A_283, %select_n3A_282 : i32
    %select_n3A_293 = arith.select %and3A_291, %add3A_292, %rem3A_283 : i32
    %eq3A_294 = arith.constant 0 : i32
    %eq3A_295 = arith.cmpi eq, %select_n3A_293, %eq3A_294 : i32
    %eq3A_296 = arith.cmpi eq, %sub3A_235, %mul3A_2 : i32
    %or3A_297 = arith.ori %eq3A_295, %eq3A_296 : i1
    %convert_element_type3A_298 = arith.extui %or3A_297 : i1 to i32
    %cond3A_299 = arith.constant 0 : i32
    %cond3A_300 = arith.cmpi ne, %convert_element_type3A_298, %cond3A_299 : i32
    scf.if %cond3A_300 {
      %mul3A_377 = arith.constant 4096 : i32
      %mul3A_378 = arith.muli %select_n3A_259, %mul3A_377 : i32
      "tpu.region"() ({
        %run_scoped3A = tpu.sem_alloc : memref<!tpu.dma_semaphore, #tpu.memory_space<semaphore_mem>>
        %dma_start3A_379 = tpu.memref_slice %arg3[%mul3A_378] : memref<819200xi32, #tpu.memory_space<hbm>> -> memref<4096xi32, #tpu.memory_space<hbm>>
        %dma_start3A_380 = tpu.memref_slice %arg3[%mul3A_378] : memref<819200xi32, #tpu.memory_space<hbm>> -> memref<4096xi32, #tpu.memory_space<hbm>>
        tpu.enqueue_dma source(%dma_start3A_380 : memref<4096xi32, #tpu.memory_space<hbm>>) target(%arg6 : memref<4096xi32, #tpu.memory_space<vmem>>) target_semaphore(%run_scoped3A : memref<!tpu.dma_semaphore, #tpu.memory_space<semaphore_mem>>)
        %dma_wait3A_381 = tpu.memref_slice %arg3[%mul3A_378] : memref<819200xi32, #tpu.memory_space<hbm>> -> memref<4096xi32, #tpu.memory_space<hbm>>
        %dma_wait3A_382 = tpu.memref_slice %arg3[%mul3A_378] : memref<819200xi32, #tpu.memory_space<hbm>> -> memref<4096xi32, #tpu.memory_space<hbm>>
        tpu.wait_dma2 semaphore(%run_scoped3A : memref<!tpu.dma_semaphore, #tpu.memory_space<semaphore_mem>>) src(%dma_wait3A_382 : memref<4096xi32, #tpu.memory_space<hbm>>) dst(%arg6 : memref<4096xi32, #tpu.memory_space<vmem>>)
        tpu.yield
      }) : () -> ()
    } else {
    }
    %dma_wait3A = arith.constant 0 : i32
    %dma_wait3A_301 = tpu.memref_slice %arg4[%select_n3A_259, %mul3A_277, %dma_wait3A] : memref<200x32x4096xf32, #tpu.memory_space<hbm>> -> memref<1x8x4096xf32, #tpu.memory_space<hbm>>
    %dma_wait3A_302 = tpu.memref_squeeze %dma_wait3A_301 : memref<1x8x4096xf32, #tpu.memory_space<hbm>> -> memref<8x4096xf32, #tpu.memory_space<hbm>>
    %dma_wait3A_303 = arith.constant 0 : i32
    %dma_wait3A_304 = tpu.memref_slice %arg4[%select_n3A_259, %mul3A_277, %dma_wait3A_303] : memref<200x32x4096xf32, #tpu.memory_space<hbm>> -> memref<1x8x4096xf32, #tpu.memory_space<hbm>>
    %dma_wait3A_305 = tpu.memref_squeeze %dma_wait3A_304 : memref<1x8x4096xf32, #tpu.memory_space<hbm>> -> memref<8x4096xf32, #tpu.memory_space<hbm>>
    tpu.wait_dma2 semaphore(%arg9 : memref<!tpu.dma_semaphore, #tpu.memory_space<semaphore_mem>>) src(%arg7 : memref<8x4096xf32, #tpu.memory_space<vmem>>) dst(%dma_wait3A_305 : memref<8x4096xf32, #tpu.memory_space<hbm>>)
    %add3A_306 = arith.constant 0 : i32
    %add3A_307 = arith.addi %mul3A_277, %add3A_306 : i32
    %mul3A_308 = arith.constant 1000 : i32
    %mul3A_309 = arith.muli %add3A_307, %mul3A_308 : i32
    %broadcast_in_dim3A_310 = vector.broadcast %mul3A_309 : i32 to vector<16xi32>
    %add3A_311 = arith.constant 1 : i32
    %add3A_312 = arith.addi %mul3A_277, %add3A_311 : i32
    %mul3A_313 = arith.constant 1000 : i32
    %mul3A_314 = arith.muli %add3A_312, %mul3A_313 : i32
    %broadcast_in_dim3A_315 = vector.broadcast %mul3A_314 : i32 to vector<16xi32>
    %add3A_316 = arith.constant 2 : i32
    %add3A_317 = arith.addi %mul3A_277, %add3A_316 : i32
    %mul3A_318 = arith.constant 1000 : i32
    %mul3A_319 = arith.muli %add3A_317, %mul3A_318 : i32
    %broadcast_in_dim3A_320 = vector.broadcast %mul3A_319 : i32 to vector<16xi32>
    %add3A_321 = arith.constant 3 : i32
    %add3A_322 = arith.addi %mul3A_277, %add3A_321 : i32
    %mul3A_323 = arith.constant 1000 : i32
    %mul3A_324 = arith.muli %add3A_322, %mul3A_323 : i32
    %broadcast_in_dim3A_325 = vector.broadcast %mul3A_324 : i32 to vector<16xi32>
    %add3A_326 = arith.constant 4 : i32
    %add3A_327 = arith.addi %mul3A_277, %add3A_326 : i32
    %mul3A_328 = arith.constant 1000 : i32
    %mul3A_329 = arith.muli %add3A_327, %mul3A_328 : i32
    %broadcast_in_dim3A_330 = vector.broadcast %mul3A_329 : i32 to vector<16xi32>
    %add3A_331 = arith.constant 5 : i32
    %add3A_332 = arith.addi %mul3A_277, %add3A_331 : i32
    %mul3A_333 = arith.constant 1000 : i32
    %mul3A_334 = arith.muli %add3A_332, %mul3A_333 : i32
    %broadcast_in_dim3A_335 = vector.broadcast %mul3A_334 : i32 to vector<16xi32>
    %add3A_336 = arith.constant 6 : i32
    %add3A_337 = arith.addi %mul3A_277, %add3A_336 : i32
    %mul3A_338 = arith.constant 1000 : i32
    %mul3A_339 = arith.muli %add3A_337, %mul3A_338 : i32
    %broadcast_in_dim3A_340 = vector.broadcast %mul3A_339 : i32 to vector<16xi32>
    %add3A_341 = arith.constant 7 : i32
    %add3A_342 = arith.addi %mul3A_277, %add3A_341 : i32
    %mul3A_343 = arith.constant 1000 : i32
    %mul3A_344 = arith.muli %add3A_342, %mul3A_343 : i32
    %broadcast_in_dim3A_345 = vector.broadcast %mul3A_344 : i32 to vector<16xi32>
    %scan3A_346 = arith.constant 0 : i32
    %scan3A_347 = arith.constant 0 : i32
    %scan3A_348 = arith.constant 128 : i32
    %scan3A_349 = arith.addi %scan3A_347, %scan3A_348 : i32
    %scan3A_350 = arith.constant 1 : i32
    %scan3A_351 = scf.for %scan3A_377 = %scan3A_347 to %scan3A_349 step %scan3A_350 iter_args(%scan3A_378 = %scan3A_346) -> (i32)  : i32 {
      %mul3A_379 = arith.constant 2 : i32
      %mul3A_380 = arith.muli %scan3A_377, %mul3A_379 : i32
      %add3A_381 = arith.constant 0 : i32
      %add3A_382 = arith.addi %mul3A_380, %add3A_381 : i32
      %mul3A_383 = arith.constant 16 : i32
      %mul3A_384 = arith.muli %add3A_382, %mul3A_383 : i32
      %get3A = arith.index_cast %mul3A_384 : i32 to index
      %get3A_385 = tpu.vector_load %arg6[%get3A] {strides = array<i32>} : memref<4096xi32, #tpu.memory_space<vmem>>, vector<16xi32>,
      %add3A_386 = arith.addi %get3A_385, %broadcast_in_dim3A_310 : vector<16xi32>
      %add3A_387 = arith.addi %get3A_385, %broadcast_in_dim3A_315 : vector<16xi32>
      %add3A_388 = arith.addi %get3A_385, %broadcast_in_dim3A_320 : vector<16xi32>
      %add3A_389 = arith.addi %get3A_385, %broadcast_in_dim3A_325 : vector<16xi32>
      %add3A_390 = arith.addi %get3A_385, %broadcast_in_dim3A_330 : vector<16xi32>
      %add3A_391 = arith.addi %get3A_385, %broadcast_in_dim3A_335 : vector<16xi32>
      %add3A_392 = arith.addi %get3A_385, %broadcast_in_dim3A_340 : vector<16xi32>
      %add3A_393 = arith.addi %get3A_385, %broadcast_in_dim3A_345 : vector<16xi32>
      %gather3A = tpu.vector_load_idx %arg5[%add3A_386] : memref<32000xf32, #tpu.memory_space<vmem>>[vector<16xi32>], vector<16xf32>,
      %gather3A_394 = tpu.vector_load_idx %arg5[%add3A_387] : memref<32000xf32, #tpu.memory_space<vmem>>[vector<16xi32>], vector<16xf32>,
      %gather3A_395 = tpu.vector_load_idx %arg5[%add3A_388] : memref<32000xf32, #tpu.memory_space<vmem>>[vector<16xi32>], vector<16xf32>,
      %gather3A_396 = tpu.vector_load_idx %arg5[%add3A_389] : memref<32000xf32, #tpu.memory_space<vmem>>[vector<16xi32>], vector<16xf32>,
      %gather3A_397 = tpu.vector_load_idx %arg5[%add3A_390] : memref<32000xf32, #tpu.memory_space<vmem>>[vector<16xi32>], vector<16xf32>,
      %gather3A_398 = tpu.vector_load_idx %arg5[%add3A_391] : memref<32000xf32, #tpu.memory_space<vmem>>[vector<16xi32>], vector<16xf32>,
      %gather3A_399 = tpu.vector_load_idx %arg5[%add3A_392] : memref<32000xf32, #tpu.memory_space<vmem>>[vector<16xi32>], vector<16xf32>,
      %gather3A_400 = tpu.vector_load_idx %arg5[%add3A_393] : memref<32000xf32, #tpu.memory_space<vmem>>[vector<16xi32>], vector<16xf32>,
      %swap3A = arith.constant 0 : i32
      %swap3A_401 = arith.index_cast %swap3A : i32 to index
      %swap3A_402 = arith.index_cast %mul3A_384 : i32 to index
      %swap3A_403 = tpu.vector_load %arg7[%swap3A_401, %swap3A_402] {strides = array<i32>} : memref<8x4096xf32, #tpu.memory_space<vmem>>, vector<16xf32>,
      tpu.vector_store %arg7[%swap3A_401, %swap3A_402], %gather3A {strides = array<i32>} : memref<8x4096xf32, #tpu.memory_space<vmem>>, vector<16xf32>,
      %swap3A_404 = arith.constant 1 : i32
      %swap3A_405 = arith.index_cast %swap3A_404 : i32 to index
      %swap3A_406 = arith.index_cast %mul3A_384 : i32 to index
      %swap3A_407 = tpu.vector_load %arg7[%swap3A_405, %swap3A_406] {strides = array<i32>} : memref<8x4096xf32, #tpu.memory_space<vmem>>, vector<16xf32>,
      tpu.vector_store %arg7[%swap3A_405, %swap3A_406], %gather3A_394 {strides = array<i32>} : memref<8x4096xf32, #tpu.memory_space<vmem>>, vector<16xf32>,
      %swap3A_408 = arith.constant 2 : i32
      %swap3A_409 = arith.index_cast %swap3A_408 : i32 to index
      %swap3A_410 = arith.index_cast %mul3A_384 : i32 to index
      %swap3A_411 = tpu.vector_load %arg7[%swap3A_409, %swap3A_410] {strides = array<i32>} : memref<8x4096xf32, #tpu.memory_space<vmem>>, vector<16xf32>,
      tpu.vector_store %arg7[%swap3A_409, %swap3A_410], %gather3A_395 {strides = array<i32>} : memref<8x4096xf32, #tpu.memory_space<vmem>>, vector<16xf32>,
      %swap3A_412 = arith.constant 3 : i32
      %swap3A_413 = arith.index_cast %swap3A_412 : i32 to index
      %swap3A_414 = arith.index_cast %mul3A_384 : i32 to index
      %swap3A_415 = tpu.vector_load %arg7[%swap3A_413, %swap3A_414] {strides = array<i32>} : memref<8x4096xf32, #tpu.memory_space<vmem>>, vector<16xf32>,
      tpu.vector_store %arg7[%swap3A_413, %swap3A_414], %gather3A_396 {strides = array<i32>} : memref<8x4096xf32, #tpu.memory_space<vmem>>, vector<16xf32>,
      %swap3A_416 = arith.constant 4 : i32
      %swap3A_417 = arith.index_cast %swap3A_416 : i32 to index
      %swap3A_418 = arith.index_cast %mul3A_384 : i32 to index
      %swap3A_419 = tpu.vector_load %arg7[%swap3A_417, %swap3A_418] {strides = array<i32>} : memref<8x4096xf32, #tpu.memory_space<vmem>>, vector<16xf32>,
      tpu.vector_store %arg7[%swap3A_417, %swap3A_418], %gather3A_397 {strides = array<i32>} : memref<8x4096xf32, #tpu.memory_space<vmem>>, vector<16xf32>,
      %swap3A_420 = arith.constant 5 : i32
      %swap3A_421 = arith.index_cast %swap3A_420 : i32 to index
      %swap3A_422 = arith.index_cast %mul3A_384 : i32 to index
      %swap3A_423 = tpu.vector_load %arg7[%swap3A_421, %swap3A_422] {strides = array<i32>} : memref<8x4096xf32, #tpu.memory_space<vmem>>, vector<16xf32>,
      tpu.vector_store %arg7[%swap3A_421, %swap3A_422], %gather3A_398 {strides = array<i32>} : memref<8x4096xf32, #tpu.memory_space<vmem>>, vector<16xf32>,
      %swap3A_424 = arith.constant 6 : i32
      %swap3A_425 = arith.index_cast %swap3A_424 : i32 to index
      %swap3A_426 = arith.index_cast %mul3A_384 : i32 to index
      %swap3A_427 = tpu.vector_load %arg7[%swap3A_425, %swap3A_426] {strides = array<i32>} : memref<8x4096xf32, #tpu.memory_space<vmem>>, vector<16xf32>,
      tpu.vector_store %arg7[%swap3A_425, %swap3A_426], %gather3A_399 {strides = array<i32>} : memref<8x4096xf32, #tpu.memory_space<vmem>>, vector<16xf32>,
      %swap3A_428 = arith.constant 7 : i32
      %swap3A_429 = arith.index_cast %swap3A_428 : i32 to index
      %swap3A_430 = arith.index_cast %mul3A_384 : i32 to index
      %swap3A_431 = tpu.vector_load %arg7[%swap3A_429, %swap3A_430] {strides = array<i32>} : memref<8x4096xf32, #tpu.memory_space<vmem>>, vector<16xf32>,
      tpu.vector_store %arg7[%swap3A_429, %swap3A_430], %gather3A_400 {strides = array<i32>} : memref<8x4096xf32, #tpu.memory_space<vmem>>, vector<16xf32>,
      %mul3A_432 = arith.constant 2 : i32
      %mul3A_433 = arith.muli %scan3A_377, %mul3A_432 : i32
      %add3A_434 = arith.constant 1 : i32
      %add3A_435 = arith.addi %mul3A_433, %add3A_434 : i32
      %mul3A_436 = arith.constant 16 : i32
      %mul3A_437 = arith.muli %add3A_435, %mul3A_436 : i32
      %get3A_438 = arith.index_cast %mul3A_437 : i32 to index
      %get3A_439 = tpu.vector_load %arg6[%get3A_438] {strides = array<i32>} : memref<4096xi32, #tpu.memory_space<vmem>>, vector<16xi32>,
      %add3A_440 = arith.addi %get3A_439, %broadcast_in_dim3A_310 : vector<16xi32>
      %add3A_441 = arith.addi %get3A_439, %broadcast_in_dim3A_315 : vector<16xi32>
      %add3A_442 = arith.addi %get3A_439, %broadcast_in_dim3A_320 : vector<16xi32>
      %add3A_443 = arith.addi %get3A_439, %broadcast_in_dim3A_325 : vector<16xi32>
      %add3A_444 = arith.addi %get3A_439, %broadcast_in_dim3A_330 : vector<16xi32>
      %add3A_445 = arith.addi %get3A_439, %broadcast_in_dim3A_335 : vector<16xi32>
      %add3A_446 = arith.addi %get3A_439, %broadcast_in_dim3A_340 : vector<16xi32>
      %add3A_447 = arith.addi %get3A_439, %broadcast_in_dim3A_345 : vector<16xi32>
      %gather3A_448 = tpu.vector_load_idx %arg5[%add3A_440] : memref<32000xf32, #tpu.memory_space<vmem>>[vector<16xi32>], vector<16xf32>,
      %gather3A_449 = tpu.vector_load_idx %arg5[%add3A_441] : memref<32000xf32, #tpu.memory_space<vmem>>[vector<16xi32>], vector<16xf32>,
      %gather3A_450 = tpu.vector_load_idx %arg5[%add3A_442] : memref<32000xf32, #tpu.memory_space<vmem>>[vector<16xi32>], vector<16xf32>,
      %gather3A_451 = tpu.vector_load_idx %arg5[%add3A_443] : memref<32000xf32, #tpu.memory_space<vmem>>[vector<16xi32>], vector<16xf32>,
      %gather3A_452 = tpu.vector_load_idx %arg5[%add3A_444] : memref<32000xf32, #tpu.memory_space<vmem>>[vector<16xi32>], vector<16xf32>,
      %gather3A_453 = tpu.vector_load_idx %arg5[%add3A_445] : memref<32000xf32, #tpu.memory_space<vmem>>[vector<16xi32>], vector<16xf32>,
      %gather3A_454 = tpu.vector_load_idx %arg5[%add3A_446] : memref<32000xf32, #tpu.memory_space<vmem>>[vector<16xi32>], vector<16xf32>,
      %gather3A_455 = tpu.vector_load_idx %arg5[%add3A_447] : memref<32000xf32, #tpu.memory_space<vmem>>[vector<16xi32>], vector<16xf32>,
      %swap3A_456 = arith.constant 0 : i32
      %swap3A_457 = arith.index_cast %swap3A_456 : i32 to index
      %swap3A_458 = arith.index_cast %mul3A_437 : i32 to index
      %swap3A_459 = tpu.vector_load %arg7[%swap3A_457, %swap3A_458] {strides = array<i32>} : memref<8x4096xf32, #tpu.memory_space<vmem>>, vector<16xf32>,
      tpu.vector_store %arg7[%swap3A_457, %swap3A_458], %gather3A_448 {strides = array<i32>} : memref<8x4096xf32, #tpu.memory_space<vmem>>, vector<16xf32>,
      %swap3A_460 = arith.constant 1 : i32
      %swap3A_461 = arith.index_cast %swap3A_460 : i32 to index
      %swap3A_462 = arith.index_cast %mul3A_437 : i32 to index
      %swap3A_463 = tpu.vector_load %arg7[%swap3A_461, %swap3A_462] {strides = array<i32>} : memref<8x4096xf32, #tpu.memory_space<vmem>>, vector<16xf32>,
      tpu.vector_store %arg7[%swap3A_461, %swap3A_462], %gather3A_449 {strides = array<i32>} : memref<8x4096xf32, #tpu.memory_space<vmem>>, vector<16xf32>,
      %swap3A_464 = arith.constant 2 : i32
      %swap3A_465 = arith.index_cast %swap3A_464 : i32 to index
      %swap3A_466 = arith.index_cast %mul3A_437 : i32 to index
      %swap3A_467 = tpu.vector_load %arg7[%swap3A_465, %swap3A_466] {strides = array<i32>} : memref<8x4096xf32, #tpu.memory_space<vmem>>, vector<16xf32>,
      tpu.vector_store %arg7[%swap3A_465, %swap3A_466], %gather3A_450 {strides = array<i32>} : memref<8x4096xf32, #tpu.memory_space<vmem>>, vector<16xf32>,
      %swap3A_468 = arith.constant 3 : i32
      %swap3A_469 = arith.index_cast %swap3A_468 : i32 to index
      %swap3A_470 = arith.index_cast %mul3A_437 : i32 to index
      %swap3A_471 = tpu.vector_load %arg7[%swap3A_469, %swap3A_470] {strides = array<i32>} : memref<8x4096xf32, #tpu.memory_space<vmem>>, vector<16xf32>,
      tpu.vector_store %arg7[%swap3A_469, %swap3A_470], %gather3A_451 {strides = array<i32>} : memref<8x4096xf32, #tpu.memory_space<vmem>>, vector<16xf32>,
      %swap3A_472 = arith.constant 4 : i32
      %swap3A_473 = arith.index_cast %swap3A_472 : i32 to index
      %swap3A_474 = arith.index_cast %mul3A_437 : i32 to index
      %swap3A_475 = tpu.vector_load %arg7[%swap3A_473, %swap3A_474] {strides = array<i32>} : memref<8x4096xf32, #tpu.memory_space<vmem>>, vector<16xf32>,
      tpu.vector_store %arg7[%swap3A_473, %swap3A_474], %gather3A_452 {strides = array<i32>} : memref<8x4096xf32, #tpu.memory_space<vmem>>, vector<16xf32>,
      %swap3A_476 = arith.constant 5 : i32
      %swap3A_477 = arith.index_cast %swap3A_476 : i32 to index
      %swap3A_478 = arith.index_cast %mul3A_437 : i32 to index
      %swap3A_479 = tpu.vector_load %arg7[%swap3A_477, %swap3A_478] {strides = array<i32>} : memref<8x4096xf32, #tpu.memory_space<vmem>>, vector<16xf32>,
      tpu.vector_store %arg7[%swap3A_477, %swap3A_478], %gather3A_453 {strides = array<i32>} : memref<8x4096xf32, #tpu.memory_space<vmem>>, vector<16xf32>,
      %swap3A_480 = arith.constant 6 : i32
      %swap3A_481 = arith.index_cast %swap3A_480 : i32 to index
      %swap3A_482 = arith.index_cast %mul3A_437 : i32 to index
      %swap3A_483 = tpu.vector_load %arg7[%swap3A_481, %swap3A_482] {strides = array<i32>} : memref<8x4096xf32, #tpu.memory_space<vmem>>, vector<16xf32>,
      tpu.vector_store %arg7[%swap3A_481, %swap3A_482], %gather3A_454 {strides = array<i32>} : memref<8x4096xf32, #tpu.memory_space<vmem>>, vector<16xf32>,
      %swap3A_484 = arith.constant 7 : i32
      %swap3A_485 = arith.index_cast %swap3A_484 : i32 to index
      %swap3A_486 = arith.index_cast %mul3A_437 : i32 to index
      %swap3A_487 = tpu.vector_load %arg7[%swap3A_485, %swap3A_486] {strides = array<i32>} : memref<8x4096xf32, #tpu.memory_space<vmem>>, vector<16xf32>,
      tpu.vector_store %arg7[%swap3A_485, %swap3A_486], %gather3A_455 {strides = array<i32>} : memref<8x4096xf32, #tpu.memory_space<vmem>>, vector<16xf32>,
      %scan3A_488 = arith.constant 0 : i32
      scf.yield %scan3A_488 : i32
    }
    %scan3A_352 = arith.constant 128 : i32
    %dma_start3A_353 = arith.constant 0 : i32
    %dma_start3A_354 = tpu.memref_slice %arg4[%select_n3A_259, %mul3A_277, %dma_start3A_353] : memref<200x32x4096xf32, #tpu.memory_space<hbm>> -> memref<1x8x4096xf32, #tpu.memory_space<hbm>>
    %dma_start3A_355 = tpu.memref_squeeze %dma_start3A_354 : memref<1x8x4096xf32, #tpu.memory_space<hbm>> -> memref<8x4096xf32, #tpu.memory_space<hbm>>
    %dma_start3A_356 = arith.constant 0 : i32
    %dma_start3A_357 = tpu.memref_slice %arg4[%select_n3A_259, %mul3A_277, %dma_start3A_356] : memref<200x32x4096xf32, #tpu.memory_space<hbm>> -> memref<1x8x4096xf32, #tpu.memory_space<hbm>>
    %dma_start3A_358 = tpu.memref_squeeze %dma_start3A_357 : memref<1x8x4096xf32, #tpu.memory_space<hbm>> -> memref<8x4096xf32, #tpu.memory_space<hbm>>
    tpu.enqueue_dma source(%arg7 : memref<8x4096xf32, #tpu.memory_space<vmem>>) target(%dma_start3A_358 : memref<8x4096xf32, #tpu.memory_space<hbm>>) target_semaphore(%arg9 : memref<!tpu.dma_semaphore, #tpu.memory_space<semaphore_mem>>)
    %dma_wait3A_359 = arith.constant 0 : i32
    %dma_wait3A_360 = arith.constant 0 : i32
    %dma_wait3A_361 = arith.constant 0 : i32
    %dma_wait3A_362 = tpu.memref_slice %arg4[%dma_wait3A_359, %dma_wait3A_360, %dma_wait3A_361] : memref<200x32x4096xf32, #tpu.memory_space<hbm>> -> memref<1x8x4096xf32, #tpu.memory_space<hbm>>
    %dma_wait3A_363 = tpu.memref_squeeze %dma_wait3A_362 : memref<1x8x4096xf32, #tpu.memory_space<hbm>> -> memref<8x4096xf32, #tpu.memory_space<hbm>>
    %dma_wait3A_364 = arith.constant 0 : i32
    %dma_wait3A_365 = arith.constant 0 : i32
    %dma_wait3A_366 = tpu.memref_slice %arg4[%dma_wait3A_359, %dma_wait3A_364, %dma_wait3A_365] : memref<200x32x4096xf32, #tpu.memory_space<hbm>> -> memref<1x8x4096xf32, #tpu.memory_space<hbm>>
    %dma_wait3A_367 = tpu.memref_squeeze %dma_wait3A_366 : memref<1x8x4096xf32, #tpu.memory_space<hbm>> -> memref<8x4096xf32, #tpu.memory_space<hbm>>
    tpu.wait_dma2 semaphore(%arg9 : memref<!tpu.dma_semaphore, #tpu.memory_space<semaphore_mem>>) src(%arg7 : memref<8x4096xf32, #tpu.memory_space<vmem>>) dst(%dma_wait3A_367 : memref<8x4096xf32, #tpu.memory_space<hbm>>)
    %dma_wait3A_368 = arith.constant 0 : i32
    %dma_wait3A_369 = arith.constant 0 : i32
    %dma_wait3A_370 = arith.constant 0 : i32
    %dma_wait3A_371 = tpu.memref_slice %arg4[%dma_wait3A_368, %dma_wait3A_369, %dma_wait3A_370] : memref<200x32x4096xf32, #tpu.memory_space<hbm>> -> memref<1x8x4096xf32, #tpu.memory_space<hbm>>
    %dma_wait3A_372 = tpu.memref_squeeze %dma_wait3A_371 : memref<1x8x4096xf32, #tpu.memory_space<hbm>> -> memref<8x4096xf32, #tpu.memory_space<hbm>>
    %dma_wait3A_373 = arith.constant 0 : i32
    %dma_wait3A_374 = arith.constant 0 : i32
    %dma_wait3A_375 = tpu.memref_slice %arg4[%dma_wait3A_368, %dma_wait3A_373, %dma_wait3A_374] : memref<200x32x4096xf32, #tpu.memory_space<hbm>> -> memref<1x8x4096xf32, #tpu.memory_space<hbm>>
    %dma_wait3A_376 = tpu.memref_squeeze %dma_wait3A_375 : memref<1x8x4096xf32, #tpu.memory_space<hbm>> -> memref<8x4096xf32, #tpu.memory_space<hbm>>
    tpu.wait_dma2 semaphore(%arg9 : memref<!tpu.dma_semaphore, #tpu.memory_space<semaphore_mem>>) src(%arg8 : memref<8x4096xf32, #tpu.memory_space<vmem>>) dst(%dma_wait3A_376 : memref<8x4096xf32, #tpu.memory_space<hbm>>)
    return
  }
}

</mosaic_0001>

<sc_bundles>
// kernel: kernel.3.cloned.1.call-start
scs
__scs_entry_jumppad:
0x0: {  	(pc) =	sbr.rel $0x88, $3  }
0x1: {  	(tag) =	ssettag $0x0;
	lr =	simm.s32 $0x1  }
0x2: {  	[smem:$0x3F9F] =	sst lr;
	_ =	strace $0xD0000000  }
0x3: {  	_ = 	snop  }
0x4: {  	_ = 	snop  }
0x5: {  	_ = 	snop  }
0x6: {  	_ = 	snop  }
0x7: {  	_ = 	snop  }
__scs_overlays_trampoline_lowered:
0x8: {  	[smem:$0x3FAE] =	sst s0  }
0x9: {  	[smem:$0x3FAF] =	sst s1  }
0xa: {  	[smem:$0x3FB0] =	sst s2  }
0xb: {  	[smem:$0x3FB1] =	sst s3  }
0xc: {  	[smem:$0x3FB2] =	sst s4  }
0xd: {  	[smem:$0x3FB3] =	sst s5  }
0xe: {  	[smem:$0x3FB4] =	sst s6  }
0xf: {  	[smem:$0x3FB5] =	sst s7  }
0x10: {  	[smem:$0x3FB6] =	sst s8  }
0x11: {  	[smem:$0x3FB7] =	sst s9;
	s0 =	simm.s32 @!p0 $0x0  }
0x12: {  	s1 =	sld [smem:$0x3F9D];
	s0 =	simm.s32 @p0 $0x1  }
0x13: {  	[smem:$0x3FB8] =	sst s0;
	s0 =	simm.s32 @!p1 $0x0  }
0x14: {  	s2 =	sld [smem:$0x3F9C];
	s0 =	simm.s32 @p1 $0x1  }
0x15: {  	[smem:$0x3FB9] =	sst s0;
	s0 =	simm.s32 @!p2 $0x0  }
0x16: {  	s3 =	sld [smem:$0x3FDB];
	s0 =	simm.s32 @p2 $0x1  }
0x17: {  	s4 =	simm.s32 $0x1BF5;
	[smem:$0x3FBB] =	sst s0  }
0x18: {  	s0 =	sld [smem:$0x3F9E];
	_ =	swait.ge [sflag:s4], $0x0  }
0x19: {  	s7 =	sld [smem:$0x3F9F]  }
0x1a: {  	s8 =	sadd.s32 $0xFFFFE003, lr  }
0x1b: {  	s9 =	sadd.s32 $0xFFFFFEF7, lr;
	s5 =	simm.s32 $0xFFFFFFFF;
	p2 =	slt.u32 s8, $0xFFFFF086  }
0x1c: {  	p1 =	slt.u32 s9, $0xF7A;
	s5 =	simm.s32 @!p2 $0x0  }
0x1d: {  	s5 =	simm.s32 @p1 $0x1;
	p0 =	seq.s32 s7, s2  }
0x1e: {  	s7 =	smul.u32 @!p0 $0xF7A, s2;
	p2 =	seq.s32 @!p0 s5, $0x0  }
0x1f: {  	s9 =	smul.u32 $0xF7A, s1;
	s8 =	simm.s32 @!p0 $0x1BF5;
	p2 =	por !p2, p0  }
0x20: {  	[sflag:s8] =	ssyncset.s32 @!p0 $0xFFFFF086;
	s6 =	sadd.s32 @!p0 s3, s7;
	s7 =	simm.s32 @!p0 $0x108  }
0x21: {  	s3 =	sadd.s32 s3, s9;
	s6 =	sadd.s32 @!p0 $0x88, s6;
	s7 =	simm.s32 @p2 $0x1082  }
0x22: {  	[simem:s7], [sflag:s8] =	dma.local @!p0 [hbm:s6], $0xF7A  }
0x23: {  	s9 =	sor.u32 $0xD0000000, s2;
	s6 =	simm.s32 $0x108;
	_ =	swait.ge @!p0 [sflag:s8], $0x0  }
0x24: {  	s3 =	sadd.s32 $0x88, s3;
	s6 =	simm.s32 @!p1 $0x1082;
	[sflag:s4] =	ssyncset.s32 $0xFFFFF086  }
0x25: {  	[simem:s6], [sflag:s4] =	dma.local [hbm:s3], $0xF7A  }
0x26: {  	[smem:$0x3F9F] =	sst s1;
	(tag) =	ssettag s2;
	_ =	strace s9  }
0x27: {  	s1 =	sld [smem:$0x3FAF]  }
0x28: {  	s2 =	sld [smem:$0x3FB0]  }
0x29: {  	s4 =	sld [smem:$0x3FB2]  }
0x2a: {  	p0 =	seq.s32 s5, $0x0;
	s5 =	sld [smem:$0x3FB3]  }
0x2b: {  	s6 =	sld [smem:$0x3FB4]  }
0x2c: {  	s7 =	sld [smem:$0x3FB5]  }
0x2d: {  	s3 =	simm.s32 $0x108;
	s8 =	sld [smem:$0x3FB6]  }
0x2e: {  	s3 =	simm.s32 @!p0 $0x1082;
	s9 =	sld [smem:$0x3FB7]  }
0x2f: {  	lr =	sadd.s32 s0, s3;
	s0 =	sld [smem:$0x3FAE]  }
0x30: {  	s3 =	sld [smem:$0x3FB1]  }
0x31: {  	[smem:$0x3FBA] =	sst s10  }
0x32: {  	s10 =	sld [smem:$0x3FB8];
	_ =	sdelay $0x3  }
0x33: {  	p0 =	seq.s32 s10, $0x1;
	s10 =	sld [smem:$0x3FBA];
	_ =	sdelay $0x3  }
0x34: {  	[smem:$0x3FBA] =	sst s10  }
0x35: {  	s10 =	sld [smem:$0x3FB9];
	_ =	sdelay $0x3  }
0x36: {  	p1 =	seq.s32 s10, $0x1;
	s10 =	sld [smem:$0x3FBA];
	_ =	sdelay $0x3  }
0x37: {  	[smem:$0x3FBA] =	sst s10  }
0x38: {  	s10 =	sld [smem:$0x3FBB]  }
0x39: {  	_ = 	snop;
	(pc) =	sbr.ind lr, $3  }
0x3a: {  	_ = 	snop  }
0x3b: {  	_ = 	snop  }
0x3c: {  	p2 =	seq.s32 s10, $0x1;
	s10 =	sld [smem:$0x3FBA]  }
0x3d: {  	_ =	shalt  }
0x3e: {  	_ =	shalt  }
0x3f: {  	_ =	shalt  }
0x40: {  	_ =	shalt  }
0x41: {  	_ =	shalt  }
0x42: {  	_ =	shalt  }
0x43: {  	_ =	shalt  }
0x44: {  	_ =	shalt  }
0x45: {  	_ =	shalt  }
0x46: {  	_ =	shalt  }
0x47: {  	_ =	shalt  }
0x48: {  	_ =	shalt  }
0x49: {  	_ =	shalt  }
0x4a: {  	_ =	shalt  }
0x4b: {  	_ =	shalt  }
0x4c: {  	_ =	shalt  }
0x4d: {  	_ =	shalt  }
0x4e: {  	_ =	shalt  }
0x4f: {  	_ =	shalt  }
0x50: {  	_ =	shalt  }
0x51: {  	_ =	shalt  }
0x52: {  	_ =	shalt  }
0x53: {  	_ =	shalt  }
0x54: {  	_ =	shalt  }
0x55: {  	_ =	shalt  }
0x56: {  	_ =	shalt  }
0x57: {  	_ =	shalt  }
0x58: {  	_ =	shalt  }
0x59: {  	_ =	shalt  }
0x5a: {  	_ =	shalt  }
0x5b: {  	_ =	shalt  }
0x5c: {  	_ =	shalt  }
0x5d: {  	_ =	shalt  }
0x5e: {  	_ =	shalt  }
0x5f: {  	_ =	shalt  }
0x60: {  	_ =	shalt  }
0x61: {  	_ =	shalt  }
0x62: {  	_ =	shalt  }
0x63: {  	_ =	shalt  }
0x64: {  	_ =	shalt  }
0x65: {  	_ =	shalt  }
0x66: {  	_ =	shalt  }
0x67: {  	_ =	shalt  }
0x68: {  	_ =	shalt  }
0x69: {  	_ =	shalt  }
0x6a: {  	_ =	shalt  }
0x6b: {  	_ =	shalt  }
0x6c: {  	_ =	shalt  }
0x6d: {  	_ =	shalt  }
0x6e: {  	_ =	shalt  }
0x6f: {  	_ =	shalt  }
0x70: {  	_ =	shalt  }
0x71: {  	_ =	shalt  }
0x72: {  	_ =	shalt  }
0x73: {  	_ =	shalt  }
0x74: {  	_ =	shalt  }
0x75: {  	_ =	shalt  }
0x76: {  	_ =	shalt  }
0x77: {  	_ =	shalt  }
0x78: {  	_ =	shalt  }
0x79: {  	_ =	shalt  }
0x7a: {  	_ =	shalt  }
0x7b: {  	_ =	shalt  }
0x7c: {  	_ =	shalt  }
0x7d: {  	_ =	shalt  }
0x7e: {  	_ =	shalt  }
0x7f: {  	_ =	shalt  }
0x80: {  	_ =	shalt  }
0x81: {  	_ =	shalt  }
0x82: {  	_ =	shalt  }
0x83: {  	_ =	shalt  }
0x84: {  	_ =	shalt  }
0x85: {  	_ =	shalt  }
0x86: {  	_ =	shalt  }
0x87: {  	_ =	shalt  }
.Lfunc_end0:
.L_simem_size_0:
called_computation_lowered:
.L_overlay_start_0:
0x88: {  	s2 =	sld [smem:$0x3FD9]  }
0x89: {  	s3 =	sld [smem:$0x3FFE];
	_ =	sdelay $0x1  }
0x8a: {  	s1 =	srdreg.scid  }
0x8b: {  	s0 =	sand.u32 $0x1, s1  }
0x8c: {  	s17 =	sshll.u32 s0, $0xA;
	s2 =	sadd.s32 s3, s2  }
0x8d: {  	s2 =	sadd.s32 s2, s17  }
0x8e: {  	[smem:$0x3FC6] =	sst s2  }
0x8f: {  	_ = 	snop  }
0x90: {  	s2 =	sld [smem:$0x3FD0];
	(tm) =	ssettm $0x1  }
0x91: {  	s18 =	sld [smem:$0x3FFB];
	_ =	sdelay $0x3  }
0x92: {  	_ =	strace s18  }
0x93: {  	s3 =	sld [smem:$0x3FFC];
	_ =	sdelay $0x3  }
0x94: {  	_ =	strace s3  }
0x95: {  	s3 =	sld [smem:$0x3FFD];
	_ =	sdelay $0x3  }
0x96: {  	_ =	strace s3  }
0x97: {  	_ =	strace $0x8FFFFFFF  }
0x98: {  	s19 =	sld [smem:$0x3FDB];
	_ =	sdelay $0x1  }
0x99: {  	s4 =	simm.s32 $_scs_section_size  }
0x9a: {  	s5 =	simm.s32 $_size__tile_overlayer_lowered;
	s6 =	simm.s32 $_tile_overlayer_lowered  }
0x9b: {  	s22 =	simm.s32 $0x1BFF;
	s21 =	sshll.u32 s6, $0x1;
	s3 =	sadd.s32 s4, s19  }
0x9c: {  	s7 =	simm.s32 $0x0;
	s20 =	sshll.u32 s5, $0x1;
	s5 =	sadd.s32 s21, s3  }
0x9d: {  	[timem:s7], [sflag:s22] =	dma.local [hbm:s5], s20  }
0x9e: {  	_ =	swait.ge [sflag:s22], s20  }
0x9f: {  	s4 =	ssub.s32 $0x0, s20;
	[sflag:s22] =	ssyncset.done $0x0  }
0xa0: {  	[sflag:s22] =	ssyncadd.s32 s4;
	_ =	sdelay $0x1  }
0xa1: {  	s23 =	simm.s32 $0x1B8B  }
0xa2: {  	_ =	swait.ge [sflag:s23], $0x1  }
0xa3: {  	[sflag:s23] =	ssyncset.done $0x0  }
0xa4: {  	s25 =	simm.s32 $0x1B8E;
	s24 =	sld [smem:$0x3FFE];
	[sflag:s23] =	ssyncadd.s32 $0xFFFFFFFF  }
0xa5: {  	s26 =	simm.s32 $execute0_lowered;
	[smem:$0x3FD2] =	sst s25  }
0xa6: {  	s5 =	sshll.u32 s26, $0x1;
	_ =	strace $0x80000046;
	[dreg:$0x1] =	wrdreg $0xFFFFFFFF  }
0xa7: {  	s28 =	simm.s32 $_size_execute0_lowered;
	s3 =	sadd.s32 s3, s5;
	[dreg:$0x0] =	wrdreg $0x0  }
0xa8: {  	s5 =	sshll.u32 s28, $0x1;
	[dreg:$0x2] =	wrdreg s3  }
0xa9: {  	[dreg:$0x3] =	wrdreg s5  }
0xaa: {  	[dreg:$0x4] =	wrdreg $0xC0  }
0xab: {  	_ =	task [dreg:s7], $0x5FFFF  }
0xac: {  	[dreg:$0x1] =	wrdreg $0xFFFFFFFF  }
0xad: {  	[dreg:$0x0] =	wrdreg $0x60  }
0xae: {  	[dreg:$0x2] =	wrdreg s24  }
0xaf: {  	[dreg:$0x3] =	wrdreg s2  }
0xb0: {  	[dreg:$0x4] =	wrdreg $0x9  }
0xb1: {  	_ =	task.clear_ibuf [dreg:s7], $0x5FFFF;
	_ =	strace $0x90000046  }
0xb2: {  	s29 =	simm.s32 $0x9;
	_ =	strace $0x80000048  }
0xb3: {  	_ =	swait.ge [sflag:s29], $0x1  }
0xb4: {  	[sflag:s29] =	ssyncadd.s32 $0xFFFFFFFF  }
0xb5: {  	_ =	strace $0x90000048  }
0xb6: {  	_ =	sfence  }
0xb7: {  	s30 =	sld [smem:$0x0];
	_ =	sdelay $0x2  }
0xb8: {  	s31 =	sshll.u32 s1, $0xD;
	s1 =	sshrl.u32 s1, $0x2  }
0xb9: {  	s3 =	sand.u32 $0x4000, s31;
	s1 =	sadd.s32 s1, s30  }
0xba: {  	s0 =	sor.u32 s3, s0;
	s1 =	sshll.u32 s1, $0x11  }
0xbb: {  	s0 =	sor.u32 s1, s0  }
0xbc: {  	s0 =	sadd.s32 $0x8F2B, s0  }
0xbd: {  	[sflag:s0] =	ssyncadd.remote.s32 $0x1  }
0xbe: {  	_ =	sfence.sel $0xFFFF  }
0xbf: {  	[dreg:$0x0] =	wrdreg $0xFFFFFFFF;
	(pc) =	sbr.abs _section_cstart, $3  }
0xc0: {  	[dreg:$0x1] =	wrdreg $0xFFFFFFFF  }
0xc1: {  	_ =	task.clear_ibuf [dreg:s7], $0x2FFFF;
	_ =	strace $0x9FFFFFFF  }
0xc2: {  	(tm) =	ssettm $0x7FFFFFFF  }
0xc3: {  	_ =	shalt  }
tec
execute0_lowered:
.L_overlay_start_1:
0x0: {  	(tag) =	ssettag $0x1  }
0x1: {  	s6 =	rddreg [dreg:$0x0];
	s1 =	srdreg.scid  }
0x2: {  	s0 =	stileid.u32;
	s2 =	rddreg [dreg:$0x1];
	s3 =	simm.s32 $0x0  }
0x3: {  	s7 =	sand.u32 $0x1, s1;
	s4 =	sshll.u32 s0, $0x1;
	s1 =	rddreg [dreg:$0x2]  }
0x4: {  	[smem:$0x7FF] =	sst s3;
	s4 =	sor.u32 s7, s4  }
0x5: {  	s5 =	sadd.s32 $0x1400, s6;
	s7 =	ssub.s32 $0x2, s7;
	s4 =	smul.u32 $0x19, s4  }
0x6: {  	s6 =	sadd.s32 $0x400, s6;
	_ =	strace $0x80000047;
	s9 =	sshrl.u32 s7, $0x1  }
0x7: {  	s13 =	ssub.s32 s7, s9;
	s18 =	sand.u32 $0x3, s4;
	s8 =	sshll.u32 s4, $0x7  }
0x8: {  	s24 =	sshll.u32 s4, $0xF;
	s25 =	sadd.s32 $0x1, s4;
	s13 =	smax.u32 s13, $0x1  }
0x9: {  	s8 =	sand.u32 $0x1FE00, s8;
	s11 =	smul.u32 $0x1F40, s18;
	s20 =	sshll.u32 s18, $0xF  }
0xa: {  	s22 =	sand.u32 $0x3, s25;
	s26 =	sshll.u32 s25, $0x7;
	s28 =	sshll.u32 s25, $0xC  }
0xb: {  	p1 =	sne.s32 s18, $0x0;
	s18 =	simm.s32 $0x0;
	s7 =	sadd.s32 s5, s8  }
0xc: {  	s8 =	sand.u32 $0x1FE0000, s24;
	s23 =	sand.u32 $0x3FE00, s26;
	s29 =	sshll.u32 s22, $0xC  }
0xd: {  	s24 =	sadd.s32 $0x18, s4;
	s25 =	smul.u32 $0x1F40, s22;
	p0 =	sne.s32 s22, $0x0  }
0xe: {  	s12 =	sadd.s32 $0x3E8, s11;
	s14 =	sadd.s32 $0x7D0, s11;
	s15 =	sadd.s32 $0xBB8, s11  }
0xf: {  	s16 =	sadd.s32 $0xFA0, s11;
	s17 =	sadd.s32 $0x1388, s11;
	s19 =	sadd.s32 $0x1770, s11  }
0x10: {  	s21 =	sadd.s32 $0x1B58, s11;
	s8 =	sor.u32 s20, s8;
	s9 =	sadd.s32 s2, s29  }
0x11: {  	s26 =	sshll.u32 s24, $0xF;
	s31 =	sshll.u32 s24, $0x7;
	s10 =	sshrl.u32 s8, $0x3  }
0x12: {  	s8 =	sand.u32 $0x7FC000, s28;
	s30 =	sand.u32 $0x3FE0000, s26;
	s26 =	sadd.s32 $0x7D0, s25  }
0x13: {  	v0 =	vmov s11;
	s24 =	sadd.s32 $0xBB8, s25;
	s28 =	sadd.s32 $0xFA0, s25;
	s29 =	sadd.s32 $0x1388, s25  }
0x14: {  	v1 =	vmov s12;
	v2 =	vmov s14;
	s11 =	sand.u32 $0x3FE00, s31;
	v6 =	vmov s19;
	s19 =	sadd.s32 $0x1B58, s25;
	s14 =	simm.s32 $0x2  }
0x15: {  	v3 =	vmov s15;
	v4 =	vmov s16;
	v5 =	vmov s17;
	s15 =	simm.s32 $0x8D00;
	s16 =	simm.s32 $0x10D00;
	s8 =	sadd.s32 s8, s9  }
0x16: {  	v7 =	vmov s21;
	v8 =	vmov s25;
	s9 =	sadd.s32 s2, s10;
	s10 =	sadd.s32 s5, s23;
	s20 =	sor.u32 s20, s30;
	v10 =	vmov s26  }
0x17: {  	s23 =	sadd.s32 $0x3E8, s25;
	s30 =	sadd.s32 $0x1770, s25;
	v11 =	vmov s24;
	v12 =	vmov s28;
	v13 =	vmov s29;
	s31 =	sshrl.u32 s20, $0x3  }
0x18: {  	s17 =	simm.s32 $0x1;
	s11 =	sadd.s32 s5, s11;
	v15 =	vmov s19;
	v9 =	vmov s23;
	v14 =	vmov s30;
	s12 =	sadd.s32 s2, s31  }
.LBB2_1:
0x19: {  	[tilespmem:s3], [sflag:$0x2] =	stream.linear.gather [hbm4b:s6+s3], $0x7D00, $0x38;
	[tilespmem:$0x18D00] =	vst v63  }
0x1a: {  	_ =	swait.ge [sflag:s14], $0x7D00  }
0x1b: {  	[sflag:s14] =	ssyncset.done $0x0  }
0x1c: {  	s19 =	simm.s32 $0x7D00;
	[sflag:s14] =	ssyncadd.s32 $0xFFFF8300  }
0x1d: {  	[tilespmem:s19], [sflag:$0x2] =	stream.linear.gather [hbm4b:s7+s3], $0x1000, $0x38;
	[tilespmem:$0x18D00] =	vst v63  }
0x1e: {  	_ =	swait.ge [sflag:s14], $0x1000  }
0x1f: {  	s20 =	simm.s32 $0x0;
	[sflag:s14] =	ssyncset.done $0x0  }
0x20: {  	s21 =	simm.s32 $0x0;
	s22 =	simm.s32 $0x0;
	[sflag:s14] =	ssyncadd.s32 $0xFFFFF000  }
.LBB2_2:
0x21: {  	v16 =	vld [tilespmem:s19+$0x0];
	_ =	sdelay $0x4  }
0x22: {  	v17 =	vadd.s32 v0, v16  }
0x23: {  	v18 =	vadd.s32 v1, v16  }
0x24: {  	v19 =	vadd.s32 v2, v16  }
0x25: {  	v20 =	vadd.s32 v3, v16  }
0x26: {  	v21 =	vadd.s32 v4, v16  }
0x27: {  	v22 =	vadd.s32 v5, v16;
	v17 =	vld.idx.msk [tilespmem:v17+s3+$0x0], $0xffff  }
0x28: {  	v23 =	vadd.s32 v6, v16;
	v18 =	vld.idx.msk [tilespmem:v18+s3+$0x0], $0xffff  }
0x29: {  	v16 =	vadd.s32 v7, v16;
	v19 =	vld.idx.msk [tilespmem:v19+s3+$0x0], $0xffff  }
0x2a: {  	v20 =	vld.idx.msk [tilespmem:v20+s3+$0x0], $0xffff  }
0x2b: {  	s23 =	sand.u32 $0x7C00, s21;
	v21 =	vld.idx.msk [tilespmem:v21+s3+$0x0], $0xffff  }
0x2c: {  	s24 =	sand.u32 $0x60, s22;
	s23 =	sadd.s32 $0x8D00, s23;
	v22 =	vld.idx.msk [tilespmem:v22+s3+$0x0], $0xffff  }
0x2d: {  	s25 =	sor.u32 s24, s23;
	v23 =	vld.idx.msk [tilespmem:v23+s3+$0x0], $0xffff  }
0x2e: {  	v16 =	vld.idx.msk [tilespmem:v16+s3+$0x0], $0xffff;
	[tilespmem:s25+$0x0] =	vst v17  }
0x2f: {  	[tilespmem:s25+$0x80] =	vst v18  }
0x30: {  	s26 =	sand.u32 $0x3, s20;
	[tilespmem:s25+$0x100] =	vst v19  }
0x31: {  	s26 =	sshll.u32 s26, $0x5;
	[tilespmem:s25+$0x180] =	vst v20  }
0x32: {  	s26 =	sadd.s32 s26, s21;
	[tilespmem:s25+$0x200] =	vst v21  }
0x33: {  	s30 =	sor.u32 $0x300, s26;
	[tilespmem:s25+$0x280] =	vst v22  }
0x34: {  	s28 =	sand.u32 $0xF80, s22;
	s24 =	sor.u32 $0x10, s24;
	s31 =	sor.u32 $0x380, s26;
	[tilespmem:s30+$0x8D00] =	vst v23  }
0x35: {  	s28 =	sor.u32 s24, s28;
	[tilespmem:s31+$0x8D00] =	vst v16  }
0x36: {  	v16 =	vld [tilespmem:s28+$0x7D00];
	_ =	sdelay $0x4  }
0x37: {  	v17 =	vadd.s32 v0, v16  }
0x38: {  	v58 =	vadd.s32 v1, v16  }
0x39: {  	v59 =	vadd.s32 v2, v16  }
0x3a: {  	v60 =	vadd.s32 v3, v16  }
0x3b: {  	v61 =	vadd.s32 v4, v16  }
0x3c: {  	v62 =	vadd.s32 v5, v16;
	v17 =	vld.idx.msk [tilespmem:v17+s3+$0x0], $0xffff  }
0x3d: {  	v63 =	vadd.s32 v6, v16;
	v18 =	vld.idx.msk [tilespmem:v58+s3+$0x0], $0xffff  }
0x3e: {  	v16 =	vadd.s32 v7, v16;
	v19 =	vld.idx.msk [tilespmem:v59+s3+$0x0], $0xffff  }
0x3f: {  	v20 =	vld.idx.msk [tilespmem:v60+s3+$0x0], $0xffff  }
0x40: {  	v21 =	vld.idx.msk [tilespmem:v61+s3+$0x0], $0xffff  }
0x41: {  	v22 =	vld.idx.msk [tilespmem:v62+s3+$0x0], $0xffff  }
0x42: {  	s23 =	sor.u32 s24, s23;
	v23 =	vld.idx.msk [tilespmem:v63+s3+$0x0], $0xffff  }
0x43: {  	v16 =	vld.idx.msk [tilespmem:v16+s3+$0x0], $0xffff;
	[tilespmem:s23+$0x0] =	vst v17  }
0x44: {  	[tilespmem:s23+$0x80] =	vst v18  }
0x45: {  	p2 =	sne.s32 s22, $0xFE0;
	[tilespmem:s23+$0x100] =	vst v19  }
.Ltmp0:
0x46: {  	[tilespmem:s23+$0x180] =	vst v20;
	(pc) =	sbr.rel @p2 .LBB2_2-.Ltmp0, $4  }
0x47: {  	s29 =	sadd.s32 $0x10, s26;
	[tilespmem:s23+$0x200] =	vst v21  }
0x48: {  	s30 =	sor.u32 $0x300, s29;
	[tilespmem:s23+$0x280] =	vst v22  }
0x49: {  	s20 =	sadd.s32 $0x1, s20;
	s31 =	sor.u32 $0x380, s29;
	[tilespmem:s30+$0x8D00] =	vst v23  }
0x4a: {  	s19 =	sadd.s32 $0x20, s19;
	s22 =	sadd.s32 $0x20, s22;
	s21 =	sadd.s32 $0x100, s21;
	[tilespmem:s31+$0x8D00] =	vst v16  }
0x4b: {  	[hbm4b:s9+s3] =	stream.linear.scatter [tilespmem:s15], [sflag:$0x1], $0x8000, $0x38;
	[tilespmem:$0x18D00] =	vst v63  }
0x4c: {  	s19 =	simm.s32 @!p0 $0x0;
	s20 =	simm.s32 @!p0 $0x7D00  }
0x4d: {  	[tilespmem:s20], [sflag:$0x2] =	stream.linear.gather @!p0 [hbm4b:s10+s19], $0x1000, $0x38;
	[tilespmem:$0x18D00] =	vst v63  }
0x4e: {  	s19 =	simm.s32 @!p0 $0x2  }
0x4f: {  	_ =	swait.ge @!p0 [sflag:s19], $0x1000  }
0x50: {  	s21 =	simm.s32 $0x0;
	s22 =	simm.s32 $0x0;
	[sflag:s19] =	ssyncset.done @!p0 $0x0  }
0x51: {  	s20 =	simm.s32 $0x7D00;
	[sflag:s19] =	ssyncadd.s32 @!p0 $0xFFFFF000;
	s19 =	simm.s32 $0x0  }
.LBB2_4:
0x52: {  	v16 =	vld [tilespmem:s20+$0x0];
	_ =	sdelay $0x4  }
0x53: {  	v17 =	vadd.s32 v8, v16  }
0x54: {  	v18 =	vadd.s32 v9, v16  }
0x55: {  	v19 =	vadd.s32 v10, v16  }
0x56: {  	v20 =	vadd.s32 v11, v16  }
0x57: {  	v21 =	vadd.s32 v12, v16  }
0x58: {  	v22 =	vadd.s32 v13, v16;
	v17 =	vld.idx.msk [tilespmem:v17+s3+$0x0], $0xffff  }
0x59: {  	v23 =	vadd.s32 v14, v16;
	v18 =	vld.idx.msk [tilespmem:v18+s3+$0x0], $0xffff  }
0x5a: {  	v16 =	vadd.s32 v15, v16;
	v19 =	vld.idx.msk [tilespmem:v19+s3+$0x0], $0xffff  }
0x5b: {  	v20 =	vld.idx.msk [tilespmem:v20+s3+$0x0], $0xffff  }
0x5c: {  	s23 =	sand.u32 $0x7C00, s21;
	v21 =	vld.idx.msk [tilespmem:v21+s3+$0x0], $0xffff  }
0x5d: {  	s24 =	sand.u32 $0x60, s22;
	s23 =	sadd.s32 $0x10D00, s23;
	v22 =	vld.idx.msk [tilespmem:v22+s3+$0x0], $0xffff  }
0x5e: {  	s25 =	sor.u32 s24, s23;
	v23 =	vld.idx.msk [tilespmem:v23+s3+$0x0], $0xffff  }
0x5f: {  	v16 =	vld.idx.msk [tilespmem:v16+s3+$0x0], $0xffff;
	[tilespmem:s25+$0x0] =	vst v17  }
0x60: {  	[tilespmem:s25+$0x80] =	vst v18  }
0x61: {  	s26 =	sand.u32 $0x3, s19;
	[tilespmem:s25+$0x100] =	vst v19  }
0x62: {  	s26 =	sshll.u32 s26, $0x5;
	[tilespmem:s25+$0x180] =	vst v20  }
0x63: {  	s26 =	sadd.s32 s26, s21;
	[tilespmem:s25+$0x200] =	vst v21  }
0x64: {  	s30 =	sor.u32 $0x300, s26;
	[tilespmem:s25+$0x280] =	vst v22  }
0x65: {  	s28 =	sand.u32 $0xF80, s22;
	s24 =	sor.u32 $0x10, s24;
	s31 =	sor.u32 $0x380, s26;
	[tilespmem:s30+$0x10D00] =	vst v23  }
0x66: {  	s28 =	sor.u32 s24, s28;
	[tilespmem:s31+$0x10D00] =	vst v16  }
0x67: {  	v16 =	vld [tilespmem:s28+$0x7D00];
	_ =	sdelay $0x4  }
0x68: {  	v17 =	vadd.s32 v8, v16  }
0x69: {  	v58 =	vadd.s32 v9, v16  }
0x6a: {  	v59 =	vadd.s32 v10, v16  }
0x6b: {  	v60 =	vadd.s32 v11, v16  }
0x6c: {  	v61 =	vadd.s32 v12, v16  }
0x6d: {  	v62 =	vadd.s32 v13, v16;
	v17 =	vld.idx.msk [tilespmem:v17+s3+$0x0], $0xffff  }
0x6e: {  	v63 =	vadd.s32 v14, v16;
	v18 =	vld.idx.msk [tilespmem:v58+s3+$0x0], $0xffff  }
0x6f: {  	v16 =	vadd.s32 v15, v16;
	v19 =	vld.idx.msk [tilespmem:v59+s3+$0x0], $0xffff  }
0x70: {  	v20 =	vld.idx.msk [tilespmem:v60+s3+$0x0], $0xffff  }
0x71: {  	v21 =	vld.idx.msk [tilespmem:v61+s3+$0x0], $0xffff  }
0x72: {  	v22 =	vld.idx.msk [tilespmem:v62+s3+$0x0], $0xffff  }
0x73: {  	s23 =	sor.u32 s24, s23;
	v23 =	vld.idx.msk [tilespmem:v63+s3+$0x0], $0xffff  }
0x74: {  	v16 =	vld.idx.msk [tilespmem:v16+s3+$0x0], $0xffff;
	[tilespmem:s23+$0x0] =	vst v17  }
0x75: {  	[tilespmem:s23+$0x80] =	vst v18  }
0x76: {  	p2 =	sne.s32 s22, $0xFE0;
	[tilespmem:s23+$0x100] =	vst v19  }
.Ltmp1:
0x77: {  	[tilespmem:s23+$0x180] =	vst v20;
	(pc) =	sbr.rel @p2 .LBB2_4-.Ltmp1, $4  }
0x78: {  	s29 =	sadd.s32 $0x10, s26;
	[tilespmem:s23+$0x200] =	vst v21  }
0x79: {  	s30 =	sor.u32 $0x300, s29;
	[tilespmem:s23+$0x280] =	vst v22  }
0x7a: {  	s19 =	sadd.s32 $0x1, s19;
	s31 =	sor.u32 $0x380, s29;
	[tilespmem:s30+$0x10D00] =	vst v23  }
0x7b: {  	s20 =	sadd.s32 $0x20, s20;
	s22 =	sadd.s32 $0x20, s22;
	s21 =	sadd.s32 $0x100, s21;
	[tilespmem:s31+$0x10D00] =	vst v16  }
0x7c: {  	[hbm4b:s8+s3] =	stream.linear.scatter [tilespmem:s16], [sflag:$0x1], $0x8000, $0x38;
	[tilespmem:$0x18D00] =	vst v63  }
0x7d: {  	s19 =	simm.s32 $0x1  }
.LBB2_6:
0x7e: {  	s20 =	sshll.u32 s19, $0x1  }
0x7f: {  	s20 =	sadd.s32 s4, s20  }
0x80: {  	s21 =	sand.u32 $0x3, s20  }
0x81: {  	s22 =	sshrl.u32 s20, $0x2;
	p2 =	sne.s32 s21, $0x0  }
0x82: {  	s23 =	sshll.u32 @!p2 s22, $0x9  }
0x83: {  	s23 =	sand.u32 @!p2 $0x1FFFFE00, s23  }
0x84: {  	s24 =	simm.s32 @!p2 $0x0;
	s25 =	simm.s32 @!p2 $0x7D00;
	s23 =	sadd.s32 @!p2 s5, s23  }
0x85: {  	[tilespmem:s25], [sflag:$0x2] =	stream.linear.gather @!p2 [hbm4b:s23+s24], $0x1000, $0x38;
	[tilespmem:$0x18D00] =	vst v63  }
0x86: {  	s23 =	simm.s32 @!p2 $0x2  }
0x87: {  	_ =	swait.ge @!p2 [sflag:s23], $0x1000  }
0x88: {  	s22 =	sshll.u32 s22, $0xE;
	s24 =	sshll.u32 s21, $0xC;
	[sflag:s23] =	ssyncset.done @!p2 $0x0  }
0x89: {  	[sflag:s23] =	ssyncadd.s32 @!p2 $0xFFFFF000;
	s23 =	sadd.s32 s2, s24;
	s24 =	smul.u32 $0x1F40, s21  }
0x8a: {  	_ =	swait.ge [sflag:s17], $0x8000;
	s21 =	sadd.s32 s22, s23;
	s22 =	simm.s32 $0x0  }
0x8b: {  	s23 =	simm.s32 $0x7D00;
	[sflag:s17] =	ssyncset.done $0x0;
	s25 =	sadd.s32 $0x3E8, s24  }
0x8c: {  	s26 =	sadd.s32 $0x7D0, s24;
	s28 =	sadd.s32 $0xBB8, s24;
	s29 =	sadd.s32 $0xFA0, s24;
	v18 =	vmov s24;
	v16 =	vmov s25  }
0x8d: {  	s30 =	sadd.s32 $0x1388, s24;
	s31 =	sadd.s32 $0x1770, s24;
	s24 =	sadd.s32 $0x1B58, s24;
	v17 =	vmov s26;
	v19 =	vmov s28;
	v20 =	vmov s29  }
0x8e: {  	[sflag:s17] =	ssyncadd.s32 $0xFFFF8000;
	v21 =	vmov s30;
	v22 =	vmov s31;
	v23 =	vmov s24;
	s24 =	simm.s32 $0x0;
	s25 =	simm.s32 $0x0  }
.LBB2_7:
0x8f: {  	v24 =	vld [tilespmem:s23+$0x0];
	_ =	sdelay $0x4  }
0x90: {  	v25 =	vadd.s32 v18, v24  }
0x91: {  	v26 =	vadd.s32 v16, v24  }
0x92: {  	v27 =	vadd.s32 v17, v24  }
0x93: {  	v28 =	vadd.s32 v19, v24  }
0x94: {  	v29 =	vadd.s32 v20, v24  }
0x95: {  	v30 =	vadd.s32 v21, v24;
	v25 =	vld.idx.msk [tilespmem:v25+s3+$0x0], $0xffff  }
0x96: {  	v31 =	vadd.s32 v22, v24;
	v26 =	vld.idx.msk [tilespmem:v26+s3+$0x0], $0xffff  }
0x97: {  	v24 =	vadd.s32 v23, v24;
	v27 =	vld.idx.msk [tilespmem:v27+s3+$0x0], $0xffff  }
0x98: {  	v28 =	vld.idx.msk [tilespmem:v28+s3+$0x0], $0xffff  }
0x99: {  	s26 =	sand.u32 $0x7C00, s24;
	v29 =	vld.idx.msk [tilespmem:v29+s3+$0x0], $0xffff  }
0x9a: {  	s28 =	sand.u32 $0x60, s25;
	s26 =	sadd.s32 $0x8D00, s26;
	v30 =	vld.idx.msk [tilespmem:v30+s3+$0x0], $0xffff  }
0x9b: {  	s29 =	sor.u32 s28, s26;
	v31 =	vld.idx.msk [tilespmem:v31+s3+$0x0], $0xffff  }
0x9c: {  	v24 =	vld.idx.msk [tilespmem:v24+s3+$0x0], $0xffff;
	[tilespmem:s29+$0x0] =	vst v25  }
0x9d: {  	[tilespmem:s29+$0x80] =	vst v26  }
0x9e: {  	s30 =	sand.u32 $0x3, s22;
	[tilespmem:s29+$0x100] =	vst v27  }
0x9f: {  	s30 =	sshll.u32 s30, $0x5;
	[tilespmem:s29+$0x180] =	vst v28  }
0xa0: {  	s30 =	sadd.s32 s30, s24;
	[tilespmem:s29+$0x200] =	vst v29  }
0xa1: {  	s31 =	sor.u32 $0x300, s30;
	[tilespmem:s29+$0x280] =	vst v30  }
0xa2: {  	s28 =	sor.u32 $0x10, s28;
	s29 =	sor.u32 $0x380, s30;
	[tilespmem:s31+$0x8D00] =	vst v31;
	s31 =	sand.u32 $0xF80, s25  }
0xa3: {  	[tilespmem:s29+$0x8D00] =	vst v24;
	s31 =	sor.u32 s28, s31  }
0xa4: {  	v24 =	vld [tilespmem:s31+$0x7D00];
	_ =	sdelay $0x4  }
0xa5: {  	v57 =	vadd.s32 v18, v24  }
0xa6: {  	v58 =	vadd.s32 v16, v24  }
0xa7: {  	v59 =	vadd.s32 v17, v24  }
0xa8: {  	v60 =	vadd.s32 v19, v24  }
0xa9: {  	v61 =	vadd.s32 v20, v24  }
0xaa: {  	v62 =	vadd.s32 v21, v24;
	v25 =	vld.idx.msk [tilespmem:v57+s3+$0x0], $0xffff  }
0xab: {  	v63 =	vadd.s32 v22, v24;
	v26 =	vld.idx.msk [tilespmem:v58+s3+$0x0], $0xffff  }
0xac: {  	v24 =	vadd.s32 v23, v24;
	v27 =	vld.idx.msk [tilespmem:v59+s3+$0x0], $0xffff  }
0xad: {  	v28 =	vld.idx.msk [tilespmem:v60+s3+$0x0], $0xffff  }
0xae: {  	v29 =	vld.idx.msk [tilespmem:v61+s3+$0x0], $0xffff  }
0xaf: {  	v30 =	vld.idx.msk [tilespmem:v62+s3+$0x0], $0xffff  }
0xb0: {  	s26 =	sor.u32 s28, s26;
	v31 =	vld.idx.msk [tilespmem:v63+s3+$0x0], $0xffff  }
0xb1: {  	v24 =	vld.idx.msk [tilespmem:v24+s3+$0x0], $0xffff;
	[tilespmem:s26+$0x0] =	vst v25  }
0xb2: {  	[tilespmem:s26+$0x80] =	vst v26  }
0xb3: {  	p2 =	sne.s32 s25, $0xFE0;
	[tilespmem:s26+$0x100] =	vst v27  }
.Ltmp2:
0xb4: {  	[tilespmem:s26+$0x180] =	vst v28;
	(pc) =	sbr.rel @p2 .LBB2_7-.Ltmp2, $4  }
0xb5: {  	s29 =	sadd.s32 $0x10, s30;
	[tilespmem:s26+$0x200] =	vst v29  }
0xb6: {  	s30 =	sor.u32 $0x300, s29;
	[tilespmem:s26+$0x280] =	vst v30  }
0xb7: {  	s22 =	sadd.s32 $0x1, s22;
	s31 =	sor.u32 $0x380, s29;
	[tilespmem:s30+$0x8D00] =	vst v31  }
0xb8: {  	s23 =	sadd.s32 $0x20, s23;
	s24 =	sadd.s32 $0x100, s24;
	s25 =	sadd.s32 $0x20, s25;
	[tilespmem:s31+$0x8D00] =	vst v24  }
0xb9: {  	[hbm4b:s21+s3] =	stream.linear.scatter [tilespmem:s15], [sflag:$0x1], $0x8000, $0x38;
	[tilespmem:$0x18D00] =	vst v63  }
0xba: {  	s20 =	sadd.s32 $0x1, s20  }
0xbb: {  	s30 =	sand.u32 $0x3, s20  }
0xbc: {  	s20 =	sshrl.u32 s20, $0x2;
	p2 =	sne.s32 s30, $0x0  }
0xbd: {  	s31 =	sshll.u32 s30, $0xF;
	s22 =	sshll.u32 @!p2 s20, $0x9  }
0xbe: {  	s21 =	smul.u32 $0x1F40, s30;
	s23 =	simm.s32 @!p2 $0x0;
	s22 =	sand.u32 @!p2 $0x1FFFFE00, s22  }
0xbf: {  	s24 =	simm.s32 @!p2 $0x7D00;
	s20 =	sshll.u32 s20, $0x11;
	s22 =	sadd.s32 @!p2 s5, s22  }
0xc0: {  	[tilespmem:s24], [sflag:$0x2] =	stream.linear.gather @!p2 [hbm4b:s22+s23], $0x1000, $0x38;
	[tilespmem:$0x18D00] =	vst v63  }
0xc1: {  	s20 =	sor.u32 s31, s20;
	s25 =	sadd.s32 $0x7D0, s21;
	s22 =	simm.s32 @!p2 $0x2  }
0xc2: {  	s26 =	sadd.s32 $0xBB8, s21;
	s28 =	sadd.s32 $0xFA0, s21;
	_ =	swait.ge @!p2 [sflag:s22], $0x1000  }
0xc3: {  	s29 =	sadd.s32 $0x1388, s21;
	s30 =	sadd.s32 $0x1770, s21;
	[sflag:s22] =	ssyncset.done @!p2 $0x0  }
0xc4: {  	s31 =	sadd.s32 $0x1B58, s21;
	s20 =	sshrl.u32 s20, $0x3;
	[sflag:s22] =	ssyncadd.s32 @!p2 $0xFFFFF000  }
0xc5: {  	v18 =	vmov s21;
	v17 =	vmov s25;
	s20 =	sadd.s32 s2, s20;
	s24 =	sadd.s32 $0x3E8, s21;
	_ =	swait.ge [sflag:s17], $0x8000  }
0xc6: {  	v19 =	vmov s26;
	v20 =	vmov s28;
	v21 =	vmov s29;
	s21 =	simm.s32 $0x0;
	s23 =	simm.s32 $0x0;
	[sflag:s17] =	ssyncset.done $0x0  }
0xc7: {  	v22 =	vmov s30;
	v23 =	vmov s31;
	v16 =	vmov s24;
	s24 =	simm.s32 $0x0;
	s22 =	simm.s32 $0x7D00;
	[sflag:s17] =	ssyncadd.s32 $0xFFFF8000  }
.LBB2_9:
0xc8: {  	v24 =	vld [tilespmem:s22+$0x0];
	_ =	sdelay $0x4  }
0xc9: {  	v25 =	vadd.s32 v18, v24  }
0xca: {  	v26 =	vadd.s32 v16, v24  }
0xcb: {  	v27 =	vadd.s32 v17, v24  }
0xcc: {  	v28 =	vadd.s32 v19, v24  }
0xcd: {  	v29 =	vadd.s32 v20, v24  }
0xce: {  	v30 =	vadd.s32 v21, v24;
	v25 =	vld.idx.msk [tilespmem:v25+s3+$0x0], $0xffff  }
0xcf: {  	v31 =	vadd.s32 v22, v24;
	v26 =	vld.idx.msk [tilespmem:v26+s3+$0x0], $0xffff  }
0xd0: {  	v24 =	vadd.s32 v23, v24;
	v27 =	vld.idx.msk [tilespmem:v27+s3+$0x0], $0xffff  }
0xd1: {  	v28 =	vld.idx.msk [tilespmem:v28+s3+$0x0], $0xffff  }
0xd2: {  	s25 =	sand.u32 $0x7C00, s23;
	v29 =	vld.idx.msk [tilespmem:v29+s3+$0x0], $0xffff  }
0xd3: {  	s26 =	sand.u32 $0x60, s24;
	s25 =	sadd.s32 $0x10D00, s25;
	v30 =	vld.idx.msk [tilespmem:v30+s3+$0x0], $0xffff  }
0xd4: {  	s28 =	sor.u32 s26, s25;
	v31 =	vld.idx.msk [tilespmem:v31+s3+$0x0], $0xffff  }
0xd5: {  	v24 =	vld.idx.msk [tilespmem:v24+s3+$0x0], $0xffff;
	[tilespmem:s28+$0x0] =	vst v25  }
0xd6: {  	[tilespmem:s28+$0x80] =	vst v26  }
0xd7: {  	s29 =	sand.u32 $0x3, s21;
	[tilespmem:s28+$0x100] =	vst v27  }
0xd8: {  	s29 =	sshll.u32 s29, $0x5;
	[tilespmem:s28+$0x180] =	vst v28  }
0xd9: {  	s29 =	sadd.s32 s29, s23;
	[tilespmem:s28+$0x200] =	vst v29  }
0xda: {  	s30 =	sor.u32 $0x300, s29;
	[tilespmem:s28+$0x280] =	vst v30  }
0xdb: {  	s26 =	sor.u32 $0x10, s26;
	s31 =	sor.u32 $0x380, s29;
	[tilespmem:s30+$0x10D00] =	vst v31;
	s30 =	sand.u32 $0xF80, s24  }
0xdc: {  	[tilespmem:s31+$0x10D00] =	vst v24;
	s31 =	sor.u32 s26, s30  }
0xdd: {  	v24 =	vld [tilespmem:s31+$0x7D00];
	_ =	sdelay $0x4  }
0xde: {  	v57 =	vadd.s32 v18, v24  }
0xdf: {  	v58 =	vadd.s32 v16, v24  }
0xe0: {  	v59 =	vadd.s32 v17, v24  }
0xe1: {  	v60 =	vadd.s32 v19, v24  }
0xe2: {  	v61 =	vadd.s32 v20, v24  }
0xe3: {  	v62 =	vadd.s32 v21, v24;
	v25 =	vld.idx.msk [tilespmem:v57+s3+$0x0], $0xffff  }
0xe4: {  	v63 =	vadd.s32 v22, v24;
	v26 =	vld.idx.msk [tilespmem:v58+s3+$0x0], $0xffff  }
0xe5: {  	v24 =	vadd.s32 v23, v24;
	v27 =	vld.idx.msk [tilespmem:v59+s3+$0x0], $0xffff  }
0xe6: {  	v28 =	vld.idx.msk [tilespmem:v60+s3+$0x0], $0xffff  }
0xe7: {  	v29 =	vld.idx.msk [tilespmem:v61+s3+$0x0], $0xffff  }
0xe8: {  	v30 =	vld.idx.msk [tilespmem:v62+s3+$0x0], $0xffff  }
0xe9: {  	s25 =	sor.u32 s26, s25;
	v31 =	vld.idx.msk [tilespmem:v63+s3+$0x0], $0xffff  }
0xea: {  	v24 =	vld.idx.msk [tilespmem:v24+s3+$0x0], $0xffff;
	[tilespmem:s25+$0x0] =	vst v25  }
0xeb: {  	[tilespmem:s25+$0x80] =	vst v26  }
0xec: {  	p2 =	sne.s32 s24, $0xFE0;
	[tilespmem:s25+$0x100] =	vst v27  }
.Ltmp3:
0xed: {  	[tilespmem:s25+$0x180] =	vst v28;
	(pc) =	sbr.rel @p2 .LBB2_9-.Ltmp3, $4  }
0xee: {  	s29 =	sadd.s32 $0x10, s29;
	[tilespmem:s25+$0x200] =	vst v29  }
0xef: {  	s30 =	sor.u32 $0x300, s29;
	[tilespmem:s25+$0x280] =	vst v30  }
0xf0: {  	s21 =	sadd.s32 $0x1, s21;
	s31 =	sor.u32 $0x380, s29;
	[tilespmem:s30+$0x10D00] =	vst v31  }
0xf1: {  	s22 =	sadd.s32 $0x20, s22;
	s23 =	sadd.s32 $0x100, s23;
	s24 =	sadd.s32 $0x20, s24;
	[tilespmem:s31+$0x10D00] =	vst v24  }
0xf2: {  	s19 =	sadd.s32 $0x1, s19  }
0xf3: {  	p2 =	sne.s32 s19, $0xC  }
.Ltmp4:
0xf4: {  	_ = 	snop;
	(pc) =	sbr.rel @p2 .LBB2_6-.Ltmp4, $2  }
0xf5: {  	_ =	sdelay $0x2  }
0xf6: {  	[hbm4b:s20+s3] =	stream.linear.scatter [tilespmem:s16], [sflag:$0x1], $0x8000, $0x38;
	[tilespmem:$0x18D00] =	vst v63  }
0xf7: {  	s19 =	simm.s32 @!p1 $0x0;
	s20 =	simm.s32 @!p1 $0x7D00  }
0xf8: {  	[tilespmem:s20], [sflag:$0x2] =	stream.linear.gather @!p1 [hbm4b:s11+s19], $0x1000, $0x38;
	[tilespmem:$0x18D00] =	vst v63  }
0xf9: {  	s19 =	simm.s32 @!p1 $0x2  }
0xfa: {  	_ =	swait.ge @!p1 [sflag:s19], $0x1000  }
0xfb: {  	[sflag:s19] =	ssyncset.done @!p1 $0x0  }
0xfc: {  	[sflag:s19] =	ssyncadd.s32 @!p1 $0xFFFFF000  }
0xfd: {  	_ =	swait.ge [sflag:s17], $0x8000  }
0xfe: {  	s21 =	simm.s32 $0x0;
	s22 =	simm.s32 $0x0;
	[sflag:s17] =	ssyncset.done $0x0  }
0xff: {  	s20 =	simm.s32 $0x7D00;
	s19 =	simm.s32 $0x0;
	[sflag:s17] =	ssyncadd.s32 $0xFFFF8000  }
.LBB2_12:
0x100: {  	v16 =	vld [tilespmem:s20+$0x0];
	_ =	sdelay $0x4  }
0x101: {  	v17 =	vadd.s32 v0, v16  }
0x102: {  	v18 =	vadd.s32 v1, v16  }
0x103: {  	v19 =	vadd.s32 v2, v16  }
0x104: {  	v20 =	vadd.s32 v3, v16  }
0x105: {  	v21 =	vadd.s32 v4, v16  }
0x106: {  	v22 =	vadd.s32 v5, v16;
	v17 =	vld.idx.msk [tilespmem:v17+s3+$0x0], $0xffff  }
0x107: {  	v23 =	vadd.s32 v6, v16;
	v18 =	vld.idx.msk [tilespmem:v18+s3+$0x0], $0xffff  }
0x108: {  	v16 =	vadd.s32 v7, v16;
	v19 =	vld.idx.msk [tilespmem:v19+s3+$0x0], $0xffff  }
0x109: {  	v20 =	vld.idx.msk [tilespmem:v20+s3+$0x0], $0xffff  }
0x10a: {  	s23 =	sand.u32 $0x7C00, s21;
	v21 =	vld.idx.msk [tilespmem:v21+s3+$0x0], $0xffff  }
0x10b: {  	s24 =	sand.u32 $0x60, s22;
	s23 =	sadd.s32 $0x8D00, s23;
	v22 =	vld.idx.msk [tilespmem:v22+s3+$0x0], $0xffff  }
0x10c: {  	s25 =	sor.u32 s24, s23;
	v23 =	vld.idx.msk [tilespmem:v23+s3+$0x0], $0xffff  }
0x10d: {  	v16 =	vld.idx.msk [tilespmem:v16+s3+$0x0], $0xffff;
	[tilespmem:s25+$0x0] =	vst v17  }
0x10e: {  	[tilespmem:s25+$0x80] =	vst v18  }
0x10f: {  	s26 =	sand.u32 $0x3, s19;
	[tilespmem:s25+$0x100] =	vst v19  }
0x110: {  	s26 =	sshll.u32 s26, $0x5;
	[tilespmem:s25+$0x180] =	vst v20  }
0x111: {  	s26 =	sadd.s32 s26, s21;
	[tilespmem:s25+$0x200] =	vst v21  }
0x112: {  	s30 =	sor.u32 $0x300, s26;
	[tilespmem:s25+$0x280] =	vst v22  }
0x113: {  	s28 =	sand.u32 $0xF80, s22;
	s24 =	sor.u32 $0x10, s24;
	s31 =	sor.u32 $0x380, s26;
	[tilespmem:s30+$0x8D00] =	vst v23  }
0x114: {  	s28 =	sor.u32 s24, s28;
	[tilespmem:s31+$0x8D00] =	vst v16  }
0x115: {  	v16 =	vld [tilespmem:s28+$0x7D00];
	_ =	sdelay $0x4  }
0x116: {  	v17 =	vadd.s32 v0, v16  }
0x117: {  	v58 =	vadd.s32 v1, v16  }
0x118: {  	v59 =	vadd.s32 v2, v16  }
0x119: {  	v60 =	vadd.s32 v3, v16  }
0x11a: {  	v61 =	vadd.s32 v4, v16  }
0x11b: {  	v62 =	vadd.s32 v5, v16;
	v17 =	vld.idx.msk [tilespmem:v17+s3+$0x0], $0xffff  }
0x11c: {  	v63 =	vadd.s32 v6, v16;
	v18 =	vld.idx.msk [tilespmem:v58+s3+$0x0], $0xffff  }
0x11d: {  	v16 =	vadd.s32 v7, v16;
	v19 =	vld.idx.msk [tilespmem:v59+s3+$0x0], $0xffff  }
0x11e: {  	v20 =	vld.idx.msk [tilespmem:v60+s3+$0x0], $0xffff  }
0x11f: {  	v21 =	vld.idx.msk [tilespmem:v61+s3+$0x0], $0xffff  }
0x120: {  	v22 =	vld.idx.msk [tilespmem:v62+s3+$0x0], $0xffff  }
0x121: {  	s23 =	sor.u32 s24, s23;
	v23 =	vld.idx.msk [tilespmem:v63+s3+$0x0], $0xffff  }
0x122: {  	v16 =	vld.idx.msk [tilespmem:v16+s3+$0x0], $0xffff;
	[tilespmem:s23+$0x0] =	vst v17  }
0x123: {  	[tilespmem:s23+$0x80] =	vst v18  }
0x124: {  	p2 =	sne.s32 s22, $0xFE0;
	[tilespmem:s23+$0x100] =	vst v19  }
.Ltmp5:
0x125: {  	[tilespmem:s23+$0x180] =	vst v20;
	(pc) =	sbr.rel @p2 .LBB2_12-.Ltmp5, $4  }
0x126: {  	s29 =	sadd.s32 $0x10, s26;
	[tilespmem:s23+$0x200] =	vst v21  }
0x127: {  	s30 =	sor.u32 $0x300, s29;
	[tilespmem:s23+$0x280] =	vst v22  }
0x128: {  	s19 =	sadd.s32 $0x1, s19;
	s31 =	sor.u32 $0x380, s29;
	[tilespmem:s30+$0x8D00] =	vst v23  }
0x129: {  	s20 =	sadd.s32 $0x20, s20;
	s22 =	sadd.s32 $0x20, s22;
	s21 =	sadd.s32 $0x100, s21;
	[tilespmem:s31+$0x8D00] =	vst v16  }
0x12a: {  	[hbm4b:s12+s3] =	stream.linear.scatter [tilespmem:s15], [sflag:$0x1], $0x8000, $0x38;
	[tilespmem:$0x18D00] =	vst v63  }
0x12b: {  	s18 =	sadd.s32 $0x1, s18  }
0x12c: {  	_ =	swait.ge [sflag:s17], $0x8000;
	p2 =	sne.s32 s18, s13  }
.Ltmp6:
0x12d: {  	[sflag:s17] =	ssyncset.done $0x0;
	(pc) =	sbr.rel @p2 .LBB2_1-.Ltmp6, $4  }
0x12e: {  	[sflag:s17] =	ssyncadd.s32 $0xFFFF8000  }
0x12f: {  	_ =	swait.ge [sflag:s17], $0x8000  }
0x130: {  	[sflag:s17] =	ssyncset.done $0x0  }
0x131: {  	[sflag:s17] =	ssyncadd.s32 $0xFFFF8000  }
0x132: {  	_ =	sfence.sel $0x180000  }
0x133: {  	[bflag:$0x0] =	sbarrier.arrive $0xFFFF  }
0x134: {  	p0 =	sne.s32 s0, $0x0;
	_ =	strace $0x90000047  }
0x135: {  	s0 =	sadd.s32 @!p0 $0x100000, s1;
	[bflag:$0x2] =	sbarrier.arrive $0xFFFF  }
0x136: {  	[sflag:s0] =	ssyncadd.tile.s32 @!p0 $0x1;
	_ =	shalt  }
.Lfunc_end2:
_tile_overlayer_lowered:
.L_overlay_start_2:
0x137: {  	(tag) =	ssettag $0x2  }
0x138: {  	s0 =	rddreg [dreg:$0x0];
	s2 =	stileid.u32  }
0x139: {  	s1 =	rddreg [dreg:$0x1];
	p0 =	sne.s32 s2, $0x0  }
0x13a: {  	s3 =	rddreg [dreg:$0x2];
	[bflag:$0x3] =	sbarrier.arrive $0xFFFF;
	s2 =	simm.s32 @!p0 $0x1C02  }
0x13b: {  	[timem:s3], [sflag:s2] =	dma.local @!p0 [hbm:s0], s1  }
0x13c: {  	s0 =	simm.s32 @!p0 $0x2  }
0x13d: {  	_ =	swait.ge @!p0 [sflag:s0], s1  }
0x13e: {  	s1 =	ssub.s32 @!p0 $0x0, s1;
	[sflag:s0] =	ssyncset.done @!p0 $0x0  }
0x13f: {  	[sflag:s0] =	ssyncadd.s32 @!p0 s1  }
0x140: {  	[bflag:$0x3] =	sbarrier.arrive $0xFFFF  }
0x141: {  	_ =	shalt  }

</sc_bundles>
